<compile_context>
chip_gen: v7x
topology: tpu7x:2x2x1
jax: 0.10.2.dev20260603
libtpu: 0.0.44.dev20260713+nightly
codegen_flags: <defaults>
</compile_context>

<pallas_src>
import functools

import jax
import jax.numpy as jnp
from jax import lax
from jax.experimental import pallas as pl
from jax.experimental.pallas import tpu as pltpu
from jax.experimental.pallas import tpu_sc as plsc

T = 4096
C = 768
E = 8
H = 768
BLK = 512
NB = 15
PT = NB * BLK

NC = 2
NS = 16
NW = NC * NS
RPW = T // NW


def _route_kernel(x_ref, w_ref, b_ref, dest_ref, be_ref, plan_ref, xpk_ref):
    lo_b = jax.lax.bitcast_convert_type(
        x_ref[:, :C // 2].astype(jnp.bfloat16).astype(jnp.float32), jnp.uint32)
    hi_b = jax.lax.bitcast_convert_type(
        x_ref[:, C // 2:].astype(jnp.bfloat16).astype(jnp.float32), jnp.uint32)
    pk = jax.lax.shift_right_logical(lo_b, jnp.uint32(16)) | (
        hi_b & jnp.uint32(0xFFFF0000))
    xpk_ref[...] = jax.lax.bitcast_convert_type(pk, jnp.int32)

    logits = jnp.dot(x_ref[...], w_ref[...],
                     preferred_element_type=jnp.float32) + b_ref[...]
    m = jnp.max(logits, axis=1, keepdims=True)
    eio = lax.broadcasted_iota(jnp.int32, (T, E), 1)
    routes = jnp.min(jnp.where(logits >= m, eio, E), axis=1, keepdims=True)
    onehot = (eio == routes).astype(jnp.float32)

    a = onehot
    k = 1
    while k < T:
        a = a + jnp.concatenate(
            [jnp.zeros((k, E), jnp.float32), a[:T - k]], axis=0)
        k *= 2
    counts = a[T - 1:T, :]
    nb = jnp.ceil(counts / BLK)

    c = nb
    k = 1
    while k < E:
        c = c + jnp.concatenate(
            [jnp.zeros((1, k), jnp.float32), c[:, :E - k]], axis=1)
        k *= 2
    start = c - nb

    dest_f = jnp.sum(onehot * (start * BLK + a - 1.0), axis=1, keepdims=True)
    dest_ref[...] = dest_f.astype(jnp.int32)

    nvf = c[:, E - 1:E]
    nvi = nvf.astype(jnp.int32)
    bio = lax.broadcasted_iota(jnp.int32, (NB, E), 0)
    bclamp = jnp.minimum(bio, nvi - 1)
    eio2 = lax.broadcasted_iota(jnp.int32, (NB, E), 1)
    pred = jnp.logical_and(bclamp >= start.astype(jnp.int32), counts > 0.5)
    bei = jnp.max(jnp.where(pred, eio2, -1), axis=1, keepdims=True)
    be_ref[...] = bei

    bef = bei.astype(jnp.float32)
    prevf = jnp.concatenate(
        [jnp.full((1, 1), -1.0, jnp.float32), bef[:NB - 1]], axis=0)
    firstf = (bef != prevf).astype(jnp.float32)
    ridf = firstf
    k = 1
    while k < NB:
        ridf = ridf + jnp.concatenate(
            [jnp.zeros((k, 1), jnp.float32), ridf[:NB - k]], axis=0)
        k *= 2
    ridf = ridf - 1.0

    io0 = lax.broadcasted_iota(jnp.int32, (NB, NB), 0).astype(jnp.float32)
    io1 = lax.broadcasted_iota(jnp.int32, (NB, NB), 1).astype(jnp.float32)
    eye = (io0 == io1).astype(jnp.float32)
    ones_row = jnp.ones((1, NB), jnp.float32)

    def to_row(v_col):
        return jnp.dot(ones_row, eye * v_col, preferred_element_type=jnp.float32)

    rid_row = to_row(ridf)
    first_row = to_row(firstf)
    be_row = to_row(bef)
    runm = (rid_row == io0).astype(jnp.float32) * first_row
    runs_col = jnp.sum(runm * (be_row + 1.0), axis=1, keepdims=True) - 1.0
    runs_row = to_row(runs_col)
    pfe = jnp.sum(((ridf + 2.0) == io1).astype(jnp.float32) * (runs_row + 1.0),
                  axis=1, keepdims=True) - 1.0
    er1 = jnp.sum((io1 == 1.0).astype(jnp.float32) * (runs_row + 1.0),
                  axis=1, keepdims=True) - 1.0
    er2 = jnp.sum((io1 == 2.0).astype(jnp.float32) * (runs_row + 1.0),
                  axis=1, keepdims=True) - 1.0
    slotf = ridf - 3.0 * jnp.floor(ridf / 3.0)
    pfsf = (ridf + 2.0) - 3.0 * jnp.floor((ridf + 2.0) / 3.0)
    blkio = lax.broadcasted_iota(jnp.int32, (NB, 1), 0)
    xsblk = jnp.minimum(blkio, nvi - 1).astype(jnp.float32)
    plan = jnp.concatenate(
        [bef, firstf, slotf, pfe, pfsf, er1, er2, xsblk],
        axis=1)
    plan_ref[...] = plan.astype(jnp.int32)


_route_call = pl.pallas_call(
    _route_kernel,
    out_shape=(
        jax.ShapeDtypeStruct((T, 1), jnp.int32),
        jax.ShapeDtypeStruct((NB, 1), jnp.int32),
        jax.ShapeDtypeStruct((NB, 8), jnp.int32),
        jax.ShapeDtypeStruct((T, C // 2), jnp.int32),
    ),
)


_sc_mesh = plsc.VectorSubcoreMesh(core_axis_name="c", subcore_axis_name="s")


@functools.partial(
    pl.kernel,
    mesh=_sc_mesh,
    out_type=jax.ShapeDtypeStruct((PT, C // 2), jnp.int32),
    scratch_types=[
        pltpu.VMEM((RPW,), jnp.int32),
        pltpu.VMEM((RPW, C // 2), jnp.int32),
        pltpu.SemaphoreType.DMA,
    ],
)
def _dispatch(x_hbm, dest_hbm, xs_hbm, idx_v, rows_v, sem):
    wid = lax.axis_index("s") * NC + lax.axis_index("c")
    base = wid * RPW
    pltpu.sync_copy(dest_hbm.at[pl.ds(base, RPW)], idx_v)
    pltpu.sync_copy(x_hbm.at[pl.ds(base, RPW)], rows_v)
    pltpu.async_copy(rows_v, xs_hbm.at[idx_v], sem).wait()


def _expert_kernel(be_ref, plan_ref, xs_ref, w1_hbm, b1_ref, w2_hbm, b2_ref,
                   ys_ref, w1v, w2v, s1, s2):
    i = pl.program_id(0)
    e = plan_ref[i, 0]
    first = plan_ref[i, 1]
    slot = plan_ref[i, 2]
    pfe = plan_ref[i, 3]
    pfs = plan_ref[i, 4]
    er1 = plan_ref[i, 5]
    er2 = plan_ref[i, 6]

    def start_copy(ex, sl):
        pltpu.make_async_copy(w1_hbm.at[ex], w1v.at[sl], s1.at[sl]).start()
        pltpu.make_async_copy(w2_hbm.at[ex], w2v.at[sl], s2.at[sl]).start()

    def wait_copy(sl):
        pltpu.make_async_copy(w1_hbm.at[0], w1v.at[sl], s1.at[sl]).wait()
        pltpu.make_async_copy(w2_hbm.at[0], w2v.at[sl], s2.at[sl]).wait()

    @pl.when(i == 0)
    def _():
        start_copy(e, 0)

    @pl.when(jnp.logical_and(i == 0, er1 >= 0))
    def _():
        start_copy(er1, 1)

    @pl.when(jnp.logical_and(i == 0, er2 >= 0))
    def _():
        start_copy(er2, 2)

    @pl.when(jnp.logical_and(i > 0, jnp.logical_and(first == 1, pfe >= 0)))
    def _():
        start_copy(pfe, pfs)

    @pl.when(first == 1)
    def _():
        wait_copy(slot)

    v = xs_ref[...]
    xlo = jax.lax.bitcast_convert_type(v << 16, jnp.float32)
    xhi = jax.lax.bitcast_convert_type(v & jnp.int32(-65536), jnp.float32)
    xsb = jnp.concatenate([xlo, xhi], axis=1).astype(jnp.bfloat16)
    h = jnp.dot(xsb,
                w1v[slot].astype(jnp.bfloat16),
                preferred_element_type=jnp.float32) + b1_ref[0]
    h = 0.5 * h * (1.0 + lax.erf(h * 0.7071067811865476))
    ys_ref[...] = jnp.dot(h.astype(jnp.bfloat16),
                          w2v[slot].astype(jnp.bfloat16),
                          preferred_element_type=jnp.float32) + b2_ref[0]


_EXPERT_IN_SPECS = [
    pl.BlockSpec((BLK, C // 2), lambda i, be, pln: (pln[i, 7], 0)),
    pl.BlockSpec(memory_space=pltpu.MemorySpace.HBM),
    pl.BlockSpec((1, 1, H), lambda i, be, pln: (be[i], 0, 0)),
    pl.BlockSpec(memory_space=pltpu.MemorySpace.HBM),
    pl.BlockSpec((1, 1, C), lambda i, be, pln: (be[i], 0, 0)),
]


_experts_call = pl.pallas_call(
    _expert_kernel,
    grid_spec=pltpu.PrefetchScalarGridSpec(
        num_scalar_prefetch=2,
        grid=(NB,),
        in_specs=_EXPERT_IN_SPECS,
        out_specs=pl.BlockSpec((BLK, C), lambda i, be, pln: (pln[i, 7], 0)),
        scratch_shapes=[
            pltpu.VMEM((3, C, H), jnp.float32),
            pltpu.VMEM((3, H, C), jnp.float32),
            pltpu.SemaphoreType.DMA((3,)),
            pltpu.SemaphoreType.DMA((3,)),
        ],
    ),
    out_shape=jax.ShapeDtypeStruct((PT, C), jnp.float32),
)


@functools.partial(
    pl.kernel,
    mesh=_sc_mesh,
    out_type=jax.ShapeDtypeStruct((T, C), jnp.float32),
    scratch_types=[
        pltpu.VMEM((RPW,), jnp.int32),
        pltpu.VMEM((RPW, C), jnp.float32),
        pltpu.SemaphoreType.DMA,
    ],
)
def _combine(ys_hbm, dest_hbm, out_hbm, idx_v, rows_v, sem):
    wid = lax.axis_index("s") * NC + lax.axis_index("c")
    base = wid * RPW
    pltpu.sync_copy(dest_hbm.at[pl.ds(base, RPW)], idx_v)
    pltpu.async_copy(ys_hbm.at[idx_v], rows_v, sem).wait()
    pltpu.sync_copy(rows_v, out_hbm.at[pl.ds(base, RPW)])


def kernel(x, switch_w, switch_b, w1, b1, w2, b2):
    Bx, Nx, Cx = x.shape
    xf = x.reshape(-1, Cx)
    dest2, be2, plan, xpk = _route_call(xf, switch_w, switch_b.reshape(1, E))
    dest = dest2.reshape(-1)
    block_expert = be2.reshape(-1)
    xs = _dispatch(xpk, dest)
    ys = _experts_call(block_expert, plan, xs, w1, b1.reshape(E, 1, H),
                       w2, b2.reshape(E, 1, C))
    outf = _combine(ys, dest)
    return outf.reshape(Bx, Nx, Cx)

# --- scband reference (transcript-rebuilt; emitter-appended) ---
"""Pipeline reference for scband-switch-mlp-87608742904391 (READ-ONLY COPY).

The authoritative reference and input builder live on the scoring server;
editing this copy changes nothing except your own understanding.
"""

import jax, jax.numpy as jnp
import numpy as np

B, N, C, E, H = 2, 2048, 768, 8, 768

def setup_inputs(seed: int = 0) -> dict:
    key = jax.random.key(seed)
    ks = jax.random.split(key, 6)
    x = jax.random.normal(ks[0], (B, N, C), dtype=jnp.float32)
    switch_w = jax.random.normal(ks[1], (C, E), dtype=jnp.float32) * 0.02
    switch_b = jnp.zeros((E,), dtype=jnp.float32)
    w1 = jax.random.normal(ks[2], (E, C, H), dtype=jnp.float32) * 0.02
    b1 = jnp.zeros((E, H), dtype=jnp.float32)
    w2 = jax.random.normal(ks[3], (E, H, C), dtype=jnp.float32) * 0.02
    b2 = jnp.zeros((E, C), dtype=jnp.float32)
    return {"x": x, "switch_w": switch_w, "switch_b": switch_b, "w1": w1, "b1": b1, "w2": w2, "b2": b2}

def reference(x, switch_w, switch_b, w1, b1, w2, b2):
    # SwitchMlp forward: top-1 routing, no token dropping (drop_tokens=False),
    # is_scale_prob=False -> scale by (p_max / stop_grad(p_max)) (==1 in fwd, routes grad to router).
    Bx, Nx, Cx = x.shape
    xf = x.reshape(-1, Cx)
    T = xf.shape[0]
    # router in float32 (autocast disabled in original)
    logits = xf.astype(jnp.float32) @ switch_w + switch_b
    route_prob = jax.nn.softmax(logits, axis=-1)
    route_prob_max = jnp.max(route_prob, axis=-1)
    routes = jnp.argmax(route_prob, axis=-1)
    n_experts = w1.shape[0]
    onehot = jax.nn.one_hot(routes, n_experts, dtype=xf.dtype)  # [T, E] dispatch mask
    final = jnp.zeros_like(xf)
    for i in range(n_experts):
        # expert i MLP (timm-style Mlp: Linear -> GELU -> Linear, hidden = dim)
        h = jax.nn.gelu(xf @ w1[i] + b1[i], approximate=False)
        y = h @ w2[i] + b2[i]
        # scatter expert output back only to tokens routed to expert i
        final = final + y * onehot[:, i:i+1]
    scale = route_prob_max / jax.lax.stop_gradient(route_prob_max)
    final = final * scale[:, None]
    return final.reshape(Bx, Nx, Cx)

if __name__ == "__main__":
    import jax
    _d = setup_inputs()
    print(jax.jit(kernel)(*tuple(_d.values())))

</pallas_src>

<mosaic_0001>
#map = affine_map<(d0, d1) -> (0, 0)>
#map1 = affine_map<(d0, d1) -> (0)>
module attributes {stable_mosaic.version = 14 : i64} {
  func.func @_combine(%arg0: i32, %arg1: i32, %arg2: memref<7680x768xf32, #tpu.memory_space<hbm>>, %arg3: memref<4096xi32, #tpu.memory_space<hbm>>, %arg4: memref<4096x768xf32, #tpu.memory_space<hbm>>, %arg5: memref<128xi32, #tpu.memory_space<vmem>>, %arg6: memref<128x768xf32, #tpu.memory_space<vmem>>, %arg7: memref<!tpu.dma_semaphore, #tpu.memory_space<semaphore_mem>>) attributes {dimension_semantics = [#tpu.dimension_semantics<core_parallel>, #tpu.dimension_semantics<subcore_parallel>], iteration_bounds = array<i64: 2, 16>, scalar_prefetch = 0 : i64, scratch_operands = 3 : i64, tpu.core_type = #tpu.core_type<sc_vector_subcore>, window_params = [{transform_indices = #map}, {transform_indices = #map1}, {transform_indices = #map}]} {
    %mul3A = arith.constant 2 : i32
    %mul3A_0 = arith.muli %arg1, %mul3A : i32
    %add3A = arith.addi %mul3A_0, %arg0 : i32
    %mul3A_1 = arith.constant 128 : i32
    %mul3A_2 = arith.muli %add3A, %mul3A_1 : i32
    "tpu.region"() ({
      %run_scoped3A = tpu.sem_alloc : memref<!tpu.dma_semaphore, #tpu.memory_space<semaphore_mem>>
      %dma_start3A_7 = tpu.memref_slice %arg3[%mul3A_2] : memref<4096xi32, #tpu.memory_space<hbm>> -> memref<128xi32, #tpu.memory_space<hbm>>
      %dma_start3A_8 = tpu.memref_slice %arg3[%mul3A_2] : memref<4096xi32, #tpu.memory_space<hbm>> -> memref<128xi32, #tpu.memory_space<hbm>>
      tpu.enqueue_dma source(%dma_start3A_8 : memref<128xi32, #tpu.memory_space<hbm>>) target(%arg5 : memref<128xi32, #tpu.memory_space<vmem>>) target_semaphore(%run_scoped3A : memref<!tpu.dma_semaphore, #tpu.memory_space<semaphore_mem>>)
      %dma_wait3A_9 = tpu.memref_slice %arg3[%mul3A_2] : memref<4096xi32, #tpu.memory_space<hbm>> -> memref<128xi32, #tpu.memory_space<hbm>>
      %dma_wait3A_10 = tpu.memref_slice %arg3[%mul3A_2] : memref<4096xi32, #tpu.memory_space<hbm>> -> memref<128xi32, #tpu.memory_space<hbm>>
      tpu.wait_dma2 semaphore(%run_scoped3A : memref<!tpu.dma_semaphore, #tpu.memory_space<semaphore_mem>>) src(%dma_wait3A_10 : memref<128xi32, #tpu.memory_space<hbm>>) dst(%arg5 : memref<128xi32, #tpu.memory_space<vmem>>)
      tpu.yield
    }) : () -> ()
    %dma_start3A = arith.constant 0 : i32
    %dma_start3A_3 = arith.constant 0 : i32
    %dma_start3A_4 = tpu.memref_slice %arg2[%dma_start3A, %dma_start3A_3] : memref<7680x768xf32, #tpu.memory_space<hbm>> -> memref<7680x768xf32, #tpu.memory_space<hbm>>
    tpu.enqueue_indirect_dma source(%dma_start3A_4 : memref<7680x768xf32, #tpu.memory_space<hbm>>) target(%arg6 : memref<128x768xf32, #tpu.memory_space<vmem>>) offsets(%arg5 : memref<128xi32, #tpu.memory_space<vmem>>) semaphore(%arg7 : memref<!tpu.dma_semaphore, #tpu.memory_space<semaphore_mem>>)
    %dma_wait3A = arith.constant 0 : i32
    %dma_wait3A_5 = arith.constant 0 : i32
    %dma_wait3A_6 = tpu.memref_slice %arg2[%dma_wait3A, %dma_wait3A_5] : memref<7680x768xf32, #tpu.memory_space<hbm>> -> memref<7680x768xf32, #tpu.memory_space<hbm>>
    tpu.wait_indirect_dma semaphore(%arg7 : memref<!tpu.dma_semaphore, #tpu.memory_space<semaphore_mem>>) src(%dma_wait3A_6 : memref<7680x768xf32, #tpu.memory_space<hbm>>) dst(%arg6 : memref<128x768xf32, #tpu.memory_space<vmem>>)
    "tpu.region"() ({
      %run_scoped3A = tpu.sem_alloc : memref<!tpu.dma_semaphore, #tpu.memory_space<semaphore_mem>>
      %dma_start3A_7 = arith.constant 0 : i32
      %dma_start3A_8 = tpu.memref_slice %arg4[%mul3A_2, %dma_start3A_7] : memref<4096x768xf32, #tpu.memory_space<hbm>> -> memref<128x768xf32, #tpu.memory_space<hbm>>
      %dma_start3A_9 = arith.constant 0 : i32
      %dma_start3A_10 = tpu.memref_slice %arg4[%mul3A_2, %dma_start3A_9] : memref<4096x768xf32, #tpu.memory_space<hbm>> -> memref<128x768xf32, #tpu.memory_space<hbm>>
      tpu.enqueue_dma source(%arg6 : memref<128x768xf32, #tpu.memory_space<vmem>>) target(%dma_start3A_10 : memref<128x768xf32, #tpu.memory_space<hbm>>) target_semaphore(%run_scoped3A : memref<!tpu.dma_semaphore, #tpu.memory_space<semaphore_mem>>)
      %dma_wait3A_11 = arith.constant 0 : i32
      %dma_wait3A_12 = tpu.memref_slice %arg4[%mul3A_2, %dma_wait3A_11] : memref<4096x768xf32, #tpu.memory_space<hbm>> -> memref<128x768xf32, #tpu.memory_space<hbm>>
      %dma_wait3A_13 = arith.constant 0 : i32
      %dma_wait3A_14 = tpu.memref_slice %arg4[%mul3A_2, %dma_wait3A_13] : memref<4096x768xf32, #tpu.memory_space<hbm>> -> memref<128x768xf32, #tpu.memory_space<hbm>>
      tpu.wait_dma2 semaphore(%run_scoped3A : memref<!tpu.dma_semaphore, #tpu.memory_space<semaphore_mem>>) src(%arg6 : memref<128x768xf32, #tpu.memory_space<vmem>>) dst(%dma_wait3A_14 : memref<128x768xf32, #tpu.memory_space<hbm>>)
      tpu.yield
    }) : () -> ()
    return
  }
}

#map = affine_map<(d0, d1) -> (0, 0)>
#map1 = affine_map<(d0, d1) -> (0)>
module attributes {stable_mosaic.version = 14 : i64} {
  func.func @_dispatch(%arg0: i32, %arg1: i32, %arg2: memref<4096x384xi32, #tpu.memory_space<hbm>>, %arg3: memref<4096xi32, #tpu.memory_space<hbm>>, %arg4: memref<7680x384xi32, #tpu.memory_space<hbm>>, %arg5: memref<128xi32, #tpu.memory_space<vmem>>, %arg6: memref<128x384xi32, #tpu.memory_space<vmem>>, %arg7: memref<!tpu.dma_semaphore, #tpu.memory_space<semaphore_mem>>) attributes {dimension_semantics = [#tpu.dimension_semantics<core_parallel>, #tpu.dimension_semantics<subcore_parallel>], iteration_bounds = array<i64: 2, 16>, scalar_prefetch = 0 : i64, scratch_operands = 3 : i64, tpu.core_type = #tpu.core_type<sc_vector_subcore>, window_params = [{transform_indices = #map}, {transform_indices = #map1}, {transform_indices = #map}]} {
    %mul3A = arith.constant 2 : i32
    %mul3A_0 = arith.muli %arg1, %mul3A : i32
    %add3A = arith.addi %mul3A_0, %arg0 : i32
    %mul3A_1 = arith.constant 128 : i32
    %mul3A_2 = arith.muli %add3A, %mul3A_1 : i32
    "tpu.region"() ({
      %run_scoped3A = tpu.sem_alloc : memref<!tpu.dma_semaphore, #tpu.memory_space<semaphore_mem>>
      %dma_start3A_7 = tpu.memref_slice %arg3[%mul3A_2] : memref<4096xi32, #tpu.memory_space<hbm>> -> memref<128xi32, #tpu.memory_space<hbm>>
      %dma_start3A_8 = tpu.memref_slice %arg3[%mul3A_2] : memref<4096xi32, #tpu.memory_space<hbm>> -> memref<128xi32, #tpu.memory_space<hbm>>
      tpu.enqueue_dma source(%dma_start3A_8 : memref<128xi32, #tpu.memory_space<hbm>>) target(%arg5 : memref<128xi32, #tpu.memory_space<vmem>>) target_semaphore(%run_scoped3A : memref<!tpu.dma_semaphore, #tpu.memory_space<semaphore_mem>>)
      %dma_wait3A_9 = tpu.memref_slice %arg3[%mul3A_2] : memref<4096xi32, #tpu.memory_space<hbm>> -> memref<128xi32, #tpu.memory_space<hbm>>
      %dma_wait3A_10 = tpu.memref_slice %arg3[%mul3A_2] : memref<4096xi32, #tpu.memory_space<hbm>> -> memref<128xi32, #tpu.memory_space<hbm>>
      tpu.wait_dma2 semaphore(%run_scoped3A : memref<!tpu.dma_semaphore, #tpu.memory_space<semaphore_mem>>) src(%dma_wait3A_10 : memref<128xi32, #tpu.memory_space<hbm>>) dst(%arg5 : memref<128xi32, #tpu.memory_space<vmem>>)
      tpu.yield
    }) : () -> ()
    "tpu.region"() ({
      %run_scoped3A = tpu.sem_alloc : memref<!tpu.dma_semaphore, #tpu.memory_space<semaphore_mem>>
      %dma_start3A_7 = arith.constant 0 : i32
      %dma_start3A_8 = tpu.memref_slice %arg2[%mul3A_2, %dma_start3A_7] : memref<4096x384xi32, #tpu.memory_space<hbm>> -> memref<128x384xi32, #tpu.memory_space<hbm>>
      %dma_start3A_9 = arith.constant 0 : i32
      %dma_start3A_10 = tpu.memref_slice %arg2[%mul3A_2, %dma_start3A_9] : memref<4096x384xi32, #tpu.memory_space<hbm>> -> memref<128x384xi32, #tpu.memory_space<hbm>>
      tpu.enqueue_dma source(%dma_start3A_10 : memref<128x384xi32, #tpu.memory_space<hbm>>) target(%arg6 : memref<128x384xi32, #tpu.memory_space<vmem>>) target_semaphore(%run_scoped3A : memref<!tpu.dma_semaphore, #tpu.memory_space<semaphore_mem>>)
      %dma_wait3A_11 = arith.constant 0 : i32
      %dma_wait3A_12 = tpu.memref_slice %arg2[%mul3A_2, %dma_wait3A_11] : memref<4096x384xi32, #tpu.memory_space<hbm>> -> memref<128x384xi32, #tpu.memory_space<hbm>>
      %dma_wait3A_13 = arith.constant 0 : i32
      %dma_wait3A_14 = tpu.memref_slice %arg2[%mul3A_2, %dma_wait3A_13] : memref<4096x384xi32, #tpu.memory_space<hbm>> -> memref<128x384xi32, #tpu.memory_space<hbm>>
      tpu.wait_dma2 semaphore(%run_scoped3A : memref<!tpu.dma_semaphore, #tpu.memory_space<semaphore_mem>>) src(%dma_wait3A_14 : memref<128x384xi32, #tpu.memory_space<hbm>>) dst(%arg6 : memref<128x384xi32, #tpu.memory_space<vmem>>)
      tpu.yield
    }) : () -> ()
    %dma_start3A = arith.constant 0 : i32
    %dma_start3A_3 = arith.constant 0 : i32
    %dma_start3A_4 = tpu.memref_slice %arg4[%dma_start3A, %dma_start3A_3] : memref<7680x384xi32, #tpu.memory_space<hbm>> -> memref<7680x384xi32, #tpu.memory_space<hbm>>
    tpu.enqueue_indirect_dma source(%arg6 : memref<128x384xi32, #tpu.memory_space<vmem>>) target(%dma_start3A_4 : memref<7680x384xi32, #tpu.memory_space<hbm>>) offsets(%arg5 : memref<128xi32, #tpu.memory_space<vmem>>) semaphore(%arg7 : memref<!tpu.dma_semaphore, #tpu.memory_space<semaphore_mem>>)
    %dma_wait3A = arith.constant 0 : i32
    %dma_wait3A_5 = arith.constant 0 : i32
    %dma_wait3A_6 = tpu.memref_slice %arg4[%dma_wait3A, %dma_wait3A_5] : memref<7680x384xi32, #tpu.memory_space<hbm>> -> memref<7680x384xi32, #tpu.memory_space<hbm>>
    tpu.wait_indirect_dma semaphore(%arg7 : memref<!tpu.dma_semaphore, #tpu.memory_space<semaphore_mem>>) src(%arg6 : memref<128x384xi32, #tpu.memory_space<vmem>>) dst(%dma_wait3A_6 : memref<7680x384xi32, #tpu.memory_space<hbm>>)
    return
  }
}

module attributes {stable_mosaic.version = 14 : i64} {
  func.func @_route_kernel(%arg0: memref<4096x768xf32, #tpu.memory_space<vmem>>, %arg1: memref<768x8xf32, #tpu.memory_space<vmem>>, %arg2: memref<1x8xf32, #tpu.memory_space<vmem>>, %arg3: memref<4096x1xi32, #tpu.memory_space<vmem>>, %arg4: memref<15x1xi32, #tpu.memory_space<vmem>>, %arg5: memref<15x8xi32, #tpu.memory_space<vmem>>, %arg6: memref<4096x384xi32, #tpu.memory_space<vmem>>) attributes {dimension_semantics = [], scalar_prefetch = 0 : i64, scratch_operands = 0 : i64, tpu.core_type = #tpu.core_type<tc>} {
    %get3A = arith.constant 0 : index
    %get3A_0 = arith.constant 0 : index
    %get3A_1 = vector.load %arg0[%get3A, %get3A_0] : memref<4096x768xf32, #tpu.memory_space<vmem>>, vector<4096x384xf32>
    %convert_element_type3A = arith.truncf %get3A_1 : vector<4096x384xf32> to vector<4096x384xbf16>
    %convert_element_type3A_2 = arith.extf %convert_element_type3A : vector<4096x384xbf16> to vector<4096x384xf32>
    %bitcast_convert_type3A = tpu.bitcast %convert_element_type3A_2 : vector<4096x384xf32> -> vector<4096x384xi32>
    %get3A_3 = arith.constant 0 : index
    %get3A_4 = arith.constant 384 : index
    %get3A_5 = vector.load %arg0[%get3A_3, %get3A_4] : memref<4096x768xf32, #tpu.memory_space<vmem>>, vector<4096x384xf32>
    %convert_element_type3A_6 = arith.truncf %get3A_5 : vector<4096x384xf32> to vector<4096x384xbf16>
    %convert_element_type3A_7 = arith.extf %convert_element_type3A_6 : vector<4096x384xbf16> to vector<4096x384xf32>
    %bitcast_convert_type3A_8 = tpu.bitcast %convert_element_type3A_7 : vector<4096x384xf32> -> vector<4096x384xi32>
    %shift_right_logical3A = arith.constant 16 : i32
    %shift_right_logical3A_9 = vector.broadcast %shift_right_logical3A : i32 to vector<4096x384xi32>
    %shift_right_logical3A_10 = arith.shrui %bitcast_convert_type3A, %shift_right_logical3A_9 : vector<4096x384xi32>
    %and3A = arith.constant -65536 : i32
    %and3A_11 = vector.broadcast %and3A : i32 to vector<4096x384xi32>
    %and3A_12 = arith.andi %bitcast_convert_type3A_8, %and3A_11 : vector<4096x384xi32>
    %or3A = arith.ori %shift_right_logical3A_10, %and3A_12 : vector<4096x384xi32>
    %bitcast_convert_type3A_13 = tpu.bitcast %or3A : vector<4096x384xi32> -> vector<4096x384xi32>
    %swap3A = arith.constant 0 : index
    %swap3A_14 = arith.constant 0 : index
    %swap3A_15 = vector.load %arg6[%swap3A, %swap3A_14] : memref<4096x384xi32, #tpu.memory_space<vmem>>, vector<4096x384xi32>
    tpu.vector_store %arg6[%swap3A, %swap3A_14], %bitcast_convert_type3A_13 {strides = array<i32>} : memref<4096x384xi32, #tpu.memory_space<vmem>>, vector<4096x384xi32>,
    %get3A_16 = arith.constant 0 : index
    %get3A_17 = arith.constant 0 : index
    %get3A_18 = vector.load %arg0[%get3A_16, %get3A_17] : memref<4096x768xf32, #tpu.memory_space<vmem>>, vector<4096x768xf32>
    %get3A_19 = arith.constant 0 : index
    %get3A_20 = arith.constant 0 : index
    %get3A_21 = vector.load %arg1[%get3A_19, %get3A_20] : memref<768x8xf32, #tpu.memory_space<vmem>>, vector<768x8xf32>
    %dot_general3A = arith.constant dense<0.000000e+00> : vector<4096x8xf32>
    %dot_general3A_22 = tpu.matmul %get3A_18, %get3A_21, %dot_general3A {dimension_numbers = #tpu.dot_dimension_numbers<[1], [0], [0], [1], [0, 0, 1, 1], [], []>, transpose_lhs_hint = false} : vector<4096x768xf32>, vector<768x8xf32>, vector<4096x8xf32> -> vector<4096x8xf32>
    %get3A_23 = arith.constant 0 : index
    %get3A_24 = arith.constant 0 : index
    %get3A_25 = vector.load %arg2[%get3A_23, %get3A_24] : memref<1x8xf32, #tpu.memory_space<vmem>>, vector<1x8xf32>
    %add3A = vector.broadcast %get3A_25 : vector<1x8xf32> to vector<4096x8xf32>
    %add3A_26 = arith.addf %dot_general3A_22, %add3A : vector<4096x8xf32>
    %reduce_max3A = arith.constant dense<0xFF800000> : vector<4096xf32>
    %reduce_max3A_27 = vector.multi_reduction <maximumf>, %add3A_26, %reduce_max3A [1] : vector<4096x8xf32> to vector<4096xf32>
    %broadcast_in_dim3A = vector.shape_cast %reduce_max3A_27 : vector<4096xf32> to vector<4096x1xf32>
    %iota3A = tpu.iota {dimensions = array<i32: 1>} : vector<4096x8xi32>
    %ge3A = vector.broadcast %broadcast_in_dim3A : vector<4096x1xf32> to vector<4096x8xf32>
    %ge3A_28 = arith.cmpf oge, %add3A_26, %ge3A : vector<4096x8xf32>
    %jit3A = arith.constant 8 : i32
    %broadcast_in_dim3A_29 = vector.broadcast %jit3A : i32 to vector<4096x8xi32>
    %select_n3A = arith.select %ge3A_28, %iota3A, %broadcast_in_dim3A_29 : vector<4096x8xi1>, vector<4096x8xi32>
    %reduce_min3A = arith.constant dense<2147483647> : vector<4096xi32>
    %reduce_min3A_30 = vector.multi_reduction <minsi>, %select_n3A, %reduce_min3A [1] : vector<4096x8xi32> to vector<4096xi32>
    %broadcast_in_dim3A_31 = vector.shape_cast %reduce_min3A_30 : vector<4096xi32> to vector<4096x1xi32>
    %eq3A = vector.broadcast %broadcast_in_dim3A_31 : vector<4096x1xi32> to vector<4096x8xi32>
    %eq3A_32 = arith.cmpi eq, %iota3A, %eq3A : vector<4096x8xi32>
    %convert_element_type3A_33 = arith.extui %eq3A_32 : vector<4096x8xi1> to vector<4096x8xi32>
    %convert_element_type3A_34 = arith.sitofp %convert_element_type3A_33 : vector<4096x8xi32> to vector<4096x8xf32>
    %broadcast_in_dim3A_35 = arith.constant 0.000000e+00 : f32
    %broadcast_in_dim3A_36 = vector.broadcast %broadcast_in_dim3A_35 : f32 to vector<1x8xf32>
    %slice3A = vector.extract_strided_slice %convert_element_type3A_34 {offsets = [0, 0], sizes = [4095, 8], strides = [1, 1]} : vector<4096x8xf32> to vector<4095x8xf32>
    %concatenate3A = tpu.concatenate %broadcast_in_dim3A_36, %slice3A in 0 : vector<1x8xf32>, vector<4095x8xf32> -> vector<4096x8xf32>
    %add3A_37 = arith.addf %convert_element_type3A_34, %concatenate3A : vector<4096x8xf32>
    %broadcast_in_dim3A_38 = arith.constant 0.000000e+00 : f32
    %broadcast_in_dim3A_39 = vector.broadcast %broadcast_in_dim3A_38 : f32 to vector<2x8xf32>
    %slice3A_40 = vector.extract_strided_slice %add3A_37 {offsets = [0, 0], sizes = [4094, 8], strides = [1, 1]} : vector<4096x8xf32> to vector<4094x8xf32>
    %concatenate3A_41 = tpu.concatenate %broadcast_in_dim3A_39, %slice3A_40 in 0 : vector<2x8xf32>, vector<4094x8xf32> -> vector<4096x8xf32>
    %add3A_42 = arith.addf %add3A_37, %concatenate3A_41 : vector<4096x8xf32>
    %broadcast_in_dim3A_43 = arith.constant 0.000000e+00 : f32
    %broadcast_in_dim3A_44 = vector.broadcast %broadcast_in_dim3A_43 : f32 to vector<4x8xf32>
    %slice3A_45 = vector.extract_strided_slice %add3A_42 {offsets = [0, 0], sizes = [4092, 8], strides = [1, 1]} : vector<4096x8xf32> to vector<4092x8xf32>
    %concatenate3A_46 = tpu.concatenate %broadcast_in_dim3A_44, %slice3A_45 in 0 : vector<4x8xf32>, vector<4092x8xf32> -> vector<4096x8xf32>
    %add3A_47 = arith.addf %add3A_42, %concatenate3A_46 : vector<4096x8xf32>
    %broadcast_in_dim3A_48 = arith.constant 0.000000e+00 : f32
    %broadcast_in_dim3A_49 = vector.broadcast %broadcast_in_dim3A_48 : f32 to vector<8x8xf32>
    %slice3A_50 = vector.extract_strided_slice %add3A_47 {offsets = [0, 0], sizes = [4088, 8], strides = [1, 1]} : vector<4096x8xf32> to vector<4088x8xf32>
    %concatenate3A_51 = tpu.concatenate %broadcast_in_dim3A_49, %slice3A_50 in 0 : vector<8x8xf32>, vector<4088x8xf32> -> vector<4096x8xf32>
    %add3A_52 = arith.addf %add3A_47, %concatenate3A_51 : vector<4096x8xf32>
    %broadcast_in_dim3A_53 = arith.constant 0.000000e+00 : f32
    %broadcast_in_dim3A_54 = vector.broadcast %broadcast_in_dim3A_53 : f32 to vector<16x8xf32>
    %slice3A_55 = vector.extract_strided_slice %add3A_52 {offsets = [0, 0], sizes = [4080, 8], strides = [1, 1]} : vector<4096x8xf32> to vector<4080x8xf32>
    %concatenate3A_56 = tpu.concatenate %broadcast_in_dim3A_54, %slice3A_55 in 0 : vector<16x8xf32>, vector<4080x8xf32> -> vector<4096x8xf32>
    %add3A_57 = arith.addf %add3A_52, %concatenate3A_56 : vector<4096x8xf32>
    %broadcast_in_dim3A_58 = arith.constant 0.000000e+00 : f32
    %broadcast_in_dim3A_59 = vector.broadcast %broadcast_in_dim3A_58 : f32 to vector<32x8xf32>
    %slice3A_60 = vector.extract_strided_slice %add3A_57 {offsets = [0, 0], sizes = [4064, 8], strides = [1, 1]} : vector<4096x8xf32> to vector<4064x8xf32>
    %concatenate3A_61 = tpu.concatenate %broadcast_in_dim3A_59, %slice3A_60 in 0 : vector<32x8xf32>, vector<4064x8xf32> -> vector<4096x8xf32>
    %add3A_62 = arith.addf %add3A_57, %concatenate3A_61 : vector<4096x8xf32>
    %broadcast_in_dim3A_63 = arith.constant 0.000000e+00 : f32
    %broadcast_in_dim3A_64 = vector.broadcast %broadcast_in_dim3A_63 : f32 to vector<64x8xf32>
    %slice3A_65 = vector.extract_strided_slice %add3A_62 {offsets = [0, 0], sizes = [4032, 8], strides = [1, 1]} : vector<4096x8xf32> to vector<4032x8xf32>
    %concatenate3A_66 = tpu.concatenate %broadcast_in_dim3A_64, %slice3A_65 in 0 : vector<64x8xf32>, vector<4032x8xf32> -> vector<4096x8xf32>
    %add3A_67 = arith.addf %add3A_62, %concatenate3A_66 : vector<4096x8xf32>
    %broadcast_in_dim3A_68 = arith.constant 0.000000e+00 : f32
    %broadcast_in_dim3A_69 = vector.broadcast %broadcast_in_dim3A_68 : f32 to vector<128x8xf32>
    %slice3A_70 = vector.extract_strided_slice %add3A_67 {offsets = [0, 0], sizes = [3968, 8], strides = [1, 1]} : vector<4096x8xf32> to vector<3968x8xf32>
    %concatenate3A_71 = tpu.concatenate %broadcast_in_dim3A_69, %slice3A_70 in 0 : vector<128x8xf32>, vector<3968x8xf32> -> vector<4096x8xf32>
    %add3A_72 = arith.addf %add3A_67, %concatenate3A_71 : vector<4096x8xf32>
    %broadcast_in_dim3A_73 = arith.constant 0.000000e+00 : f32
    %broadcast_in_dim3A_74 = vector.broadcast %broadcast_in_dim3A_73 : f32 to vector<256x8xf32>
    %slice3A_75 = vector.extract_strided_slice %add3A_72 {offsets = [0, 0], sizes = [3840, 8], strides = [1, 1]} : vector<4096x8xf32> to vector<3840x8xf32>
    %concatenate3A_76 = tpu.concatenate %broadcast_in_dim3A_74, %slice3A_75 in 0 : vector<256x8xf32>, vector<3840x8xf32> -> vector<4096x8xf32>
    %add3A_77 = arith.addf %add3A_72, %concatenate3A_76 : vector<4096x8xf32>
    %broadcast_in_dim3A_78 = arith.constant 0.000000e+00 : f32
    %broadcast_in_dim3A_79 = vector.broadcast %broadcast_in_dim3A_78 : f32 to vector<512x8xf32>
    %slice3A_80 = vector.extract_strided_slice %add3A_77 {offsets = [0, 0], sizes = [3584, 8], strides = [1, 1]} : vector<4096x8xf32> to vector<3584x8xf32>
    %concatenate3A_81 = tpu.concatenate %broadcast_in_dim3A_79, %slice3A_80 in 0 : vector<512x8xf32>, vector<3584x8xf32> -> vector<4096x8xf32>
    %add3A_82 = arith.addf %add3A_77, %concatenate3A_81 : vector<4096x8xf32>
    %broadcast_in_dim3A_83 = arith.constant 0.000000e+00 : f32
    %broadcast_in_dim3A_84 = vector.broadcast %broadcast_in_dim3A_83 : f32 to vector<1024x8xf32>
    %slice3A_85 = vector.extract_strided_slice %add3A_82 {offsets = [0, 0], sizes = [3072, 8], strides = [1, 1]} : vector<4096x8xf32> to vector<3072x8xf32>
    %concatenate3A_86 = tpu.concatenate %broadcast_in_dim3A_84, %slice3A_85 in 0 : vector<1024x8xf32>, vector<3072x8xf32> -> vector<4096x8xf32>
    %add3A_87 = arith.addf %add3A_82, %concatenate3A_86 : vector<4096x8xf32>
    %broadcast_in_dim3A_88 = arith.constant 0.000000e+00 : f32
    %broadcast_in_dim3A_89 = vector.broadcast %broadcast_in_dim3A_88 : f32 to vector<2048x8xf32>
    %slice3A_90 = vector.extract_strided_slice %add3A_87 {offsets = [0, 0], sizes = [2048, 8], strides = [1, 1]} : vector<4096x8xf32> to vector<2048x8xf32>
    %concatenate3A_91 = tpu.concatenate %broadcast_in_dim3A_89, %slice3A_90 in 0 : vector<2048x8xf32>, vector<2048x8xf32> -> vector<4096x8xf32>
    %add3A_92 = arith.addf %add3A_87, %concatenate3A_91 : vector<4096x8xf32>
    %slice3A_93 = vector.extract_strided_slice %add3A_92 {offsets = [4095, 0], sizes = [1, 8], strides = [1, 1]} : vector<4096x8xf32> to vector<1x8xf32>
    %div3A = arith.constant 5.120000e+02 : f32
    %div3A_94 = vector.broadcast %div3A : f32 to vector<1x8xf32>
    %div3A_95 = arith.divf %slice3A_93, %div3A_94 : vector<1x8xf32>
    %ceil3A = math.ceil %div3A_95 : vector<1x8xf32>
    %broadcast_in_dim3A_96 = arith.constant 0.000000e+00 : f32
    %broadcast_in_dim3A_97 = vector.broadcast %broadcast_in_dim3A_96 : f32 to vector<1x1xf32>
    %slice3A_98 = vector.extract_strided_slice %ceil3A {offsets = [0, 0], sizes = [1, 7], strides = [1, 1]} : vector<1x8xf32> to vector<1x7xf32>
    %concatenate3A_99 = tpu.concatenate %broadcast_in_dim3A_97, %slice3A_98 in 1 : vector<1x1xf32>, vector<1x7xf32> -> vector<1x8xf32>
    %add3A_100 = arith.addf %ceil3A, %concatenate3A_99 : vector<1x8xf32>
    %broadcast_in_dim3A_101 = arith.constant 0.000000e+00 : f32
    %broadcast_in_dim3A_102 = vector.broadcast %broadcast_in_dim3A_101 : f32 to vector<1x2xf32>
    %slice3A_103 = vector.extract_strided_slice %add3A_100 {offsets = [0, 0], sizes = [1, 6], strides = [1, 1]} : vector<1x8xf32> to vector<1x6xf32>
    %concatenate3A_104 = tpu.concatenate %broadcast_in_dim3A_102, %slice3A_103 in 1 : vector<1x2xf32>, vector<1x6xf32> -> vector<1x8xf32>
    %add3A_105 = arith.addf %add3A_100, %concatenate3A_104 : vector<1x8xf32>
    %broadcast_in_dim3A_106 = arith.constant 0.000000e+00 : f32
    %broadcast_in_dim3A_107 = vector.broadcast %broadcast_in_dim3A_106 : f32 to vector<1x4xf32>
    %slice3A_108 = vector.extract_strided_slice %add3A_105 {offsets = [0, 0], sizes = [1, 4], strides = [1, 1]} : vector<1x8xf32> to vector<1x4xf32>
    %concatenate3A_109 = tpu.concatenate %broadcast_in_dim3A_107, %slice3A_108 in 1 : vector<1x4xf32>, vector<1x4xf32> -> vector<1x8xf32>
    %add3A_110 = arith.addf %add3A_105, %concatenate3A_109 : vector<1x8xf32>
    %sub3A = arith.subf %add3A_110, %ceil3A : vector<1x8xf32>
    %mul3A = arith.constant 5.120000e+02 : f32
    %mul3A_111 = vector.broadcast %mul3A : f32 to vector<1x8xf32>
    %mul3A_112 = arith.mulf %sub3A, %mul3A_111 : vector<1x8xf32>
    %add3A_113 = vector.broadcast %mul3A_112 : vector<1x8xf32> to vector<4096x8xf32>
    %add3A_114 = arith.addf %add3A_113, %add3A_92 : vector<4096x8xf32>
    %sub3A_115 = arith.constant 1.000000e+00 : f32
    %sub3A_116 = vector.broadcast %sub3A_115 : f32 to vector<4096x8xf32>
    %sub3A_117 = arith.subf %add3A_114, %sub3A_116 : vector<4096x8xf32>
    %mul3A_118 = arith.mulf %convert_element_type3A_34, %sub3A_117 : vector<4096x8xf32>
    %reduce_sum3A = arith.constant dense<0.000000e+00> : vector<4096xf32>
    %reduce_sum3A_119 = vector.multi_reduction <add>, %mul3A_118, %reduce_sum3A [1] : vector<4096x8xf32> to vector<4096xf32>
    %broadcast_in_dim3A_120 = vector.shape_cast %reduce_sum3A_119 : vector<4096xf32> to vector<4096x1xf32>
    %convert_element_type3A_121 = arith.fptosi %broadcast_in_dim3A_120 : vector<4096x1xf32> to vector<4096x1xi32>
    %swap3A_122 = arith.constant 0 : index
    %swap3A_123 = arith.constant 0 : index
    %swap3A_124 = vector.load %arg3[%swap3A_122, %swap3A_123] : memref<4096x1xi32, #tpu.memory_space<vmem>>, vector<4096x1xi32>
    tpu.vector_store %arg3[%swap3A_122, %swap3A_123], %convert_element_type3A_121 {strides = array<i32>} : memref<4096x1xi32, #tpu.memory_space<vmem>>, vector<4096x1xi32>,
    %slice3A_125 = vector.extract_strided_slice %add3A_110 {offsets = [0, 7], sizes = [1, 1], strides = [1, 1]} : vector<1x8xf32> to vector<1x1xf32>
    %convert_element_type3A_126 = arith.fptosi %slice3A_125 : vector<1x1xf32> to vector<1x1xi32>
    %iota3A_127 = tpu.iota {dimensions = array<i32: 0>} : vector<15x8xi32>
    %sub3A_128 = arith.constant 1 : i32
    %sub3A_129 = vector.broadcast %sub3A_128 : i32 to vector<1x1xi32>
    %sub3A_130 = arith.subi %convert_element_type3A_126, %sub3A_129 : vector<1x1xi32>
    %min3A = vector.broadcast %sub3A_130 : vector<1x1xi32> to vector<15x8xi32>
    %min3A_131 = arith.minsi %iota3A_127, %min3A : vector<15x8xi32>
    %iota3A_132 = tpu.iota {dimensions = array<i32: 1>} : vector<15x8xi32>
    %convert_element_type3A_133 = arith.fptosi %sub3A : vector<1x8xf32> to vector<1x8xi32>
    %ge3A_134 = vector.broadcast %convert_element_type3A_133 : vector<1x8xi32> to vector<15x8xi32>
    %ge3A_135 = arith.cmpi sge, %min3A_131, %ge3A_134 : vector<15x8xi32>
    %gt3A = arith.constant 5.000000e-01 : f32
    %gt3A_136 = vector.broadcast %gt3A : f32 to vector<1x8xf32>
    %gt3A_137 = arith.cmpf ogt, %slice3A_93, %gt3A_136 : vector<1x8xf32>
    %and3A_138 = vector.broadcast %gt3A_137 : vector<1x8xi1> to vector<15x8xi1>
    %and3A_139 = arith.andi %ge3A_135, %and3A_138 : vector<15x8xi1>
    %jit3A_140 = arith.constant -1 : i32
    %broadcast_in_dim3A_141 = vector.broadcast %jit3A_140 : i32 to vector<15x8xi32>
    %select_n3A_142 = arith.select %and3A_139, %iota3A_132, %broadcast_in_dim3A_141 : vector<15x8xi1>, vector<15x8xi32>
    %reduce_max3A_143 = arith.constant dense<-2147483648> : vector<15xi32>
    %reduce_max3A_144 = vector.multi_reduction <maxsi>, %select_n3A_142, %reduce_max3A_143 [1] : vector<15x8xi32> to vector<15xi32>
    %broadcast_in_dim3A_145 = vector.shape_cast %reduce_max3A_144 : vector<15xi32> to vector<15x1xi32>
    %swap3A_146 = arith.constant 0 : index
    %swap3A_147 = arith.constant 0 : index
    %swap3A_148 = vector.load %arg4[%swap3A_146, %swap3A_147] : memref<15x1xi32, #tpu.memory_space<vmem>>, vector<15x1xi32>
    tpu.vector_store %arg4[%swap3A_146, %swap3A_147], %broadcast_in_dim3A_145 {strides = array<i32>} : memref<15x1xi32, #tpu.memory_space<vmem>>, vector<15x1xi32>,
    %convert_element_type3A_149 = arith.sitofp %broadcast_in_dim3A_145 : vector<15x1xi32> to vector<15x1xf32>
    %broadcast_in_dim3A_150 = arith.constant -1.000000e+00 : f32
    %broadcast_in_dim3A_151 = vector.broadcast %broadcast_in_dim3A_150 : f32 to vector<1x1xf32>
    %slice3A_152 = vector.extract_strided_slice %convert_element_type3A_149 {offsets = [0, 0], sizes = [14, 1], strides = [1, 1]} : vector<15x1xf32> to vector<14x1xf32>
    %concatenate3A_153 = tpu.concatenate %broadcast_in_dim3A_151, %slice3A_152 in 0 : vector<1x1xf32>, vector<14x1xf32> -> vector<15x1xf32>
    %ne3A = arith.cmpf one, %convert_element_type3A_149, %concatenate3A_153 : vector<15x1xf32>
    %convert_element_type3A_154 = arith.extui %ne3A : vector<15x1xi1> to vector<15x1xi32>
    %convert_element_type3A_155 = arith.sitofp %convert_element_type3A_154 : vector<15x1xi32> to vector<15x1xf32>
    %broadcast_in_dim3A_156 = arith.constant 0.000000e+00 : f32
    %broadcast_in_dim3A_157 = vector.broadcast %broadcast_in_dim3A_156 : f32 to vector<1x1xf32>
    %slice3A_158 = vector.extract_strided_slice %convert_element_type3A_155 {offsets = [0, 0], sizes = [14, 1], strides = [1, 1]} : vector<15x1xf32> to vector<14x1xf32>
    %concatenate3A_159 = tpu.concatenate %broadcast_in_dim3A_157, %slice3A_158 in 0 : vector<1x1xf32>, vector<14x1xf32> -> vector<15x1xf32>
    %add3A_160 = arith.addf %convert_element_type3A_155, %concatenate3A_159 : vector<15x1xf32>
    %broadcast_in_dim3A_161 = arith.constant 0.000000e+00 : f32
    %broadcast_in_dim3A_162 = vector.broadcast %broadcast_in_dim3A_161 : f32 to vector<2x1xf32>
    %slice3A_163 = vector.extract_strided_slice %add3A_160 {offsets = [0, 0], sizes = [13, 1], strides = [1, 1]} : vector<15x1xf32> to vector<13x1xf32>
    %concatenate3A_164 = tpu.concatenate %broadcast_in_dim3A_162, %slice3A_163 in 0 : vector<2x1xf32>, vector<13x1xf32> -> vector<15x1xf32>
    %add3A_165 = arith.addf %add3A_160, %concatenate3A_164 : vector<15x1xf32>
    %broadcast_in_dim3A_166 = arith.constant 0.000000e+00 : f32
    %broadcast_in_dim3A_167 = vector.broadcast %broadcast_in_dim3A_166 : f32 to vector<4x1xf32>
    %slice3A_168 = vector.extract_strided_slice %add3A_165 {offsets = [0, 0], sizes = [11, 1], strides = [1, 1]} : vector<15x1xf32> to vector<11x1xf32>
    %concatenate3A_169 = tpu.concatenate %broadcast_in_dim3A_167, %slice3A_168 in 0 : vector<4x1xf32>, vector<11x1xf32> -> vector<15x1xf32>
    %add3A_170 = arith.addf %add3A_165, %concatenate3A_169 : vector<15x1xf32>
    %broadcast_in_dim3A_171 = arith.constant 0.000000e+00 : f32
    %broadcast_in_dim3A_172 = vector.broadcast %broadcast_in_dim3A_171 : f32 to vector<8x1xf32>
    %slice3A_173 = vector.extract_strided_slice %add3A_170 {offsets = [0, 0], sizes = [7, 1], strides = [1, 1]} : vector<15x1xf32> to vector<7x1xf32>
    %concatenate3A_174 = tpu.concatenate %broadcast_in_dim3A_172, %slice3A_173 in 0 : vector<8x1xf32>, vector<7x1xf32> -> vector<15x1xf32>
    %add3A_175 = arith.addf %add3A_170, %concatenate3A_174 : vector<15x1xf32>
    %sub3A_176 = arith.constant 1.000000e+00 : f32
    %sub3A_177 = vector.broadcast %sub3A_176 : f32 to vector<15x1xf32>
    %sub3A_178 = arith.subf %add3A_175, %sub3A_177 : vector<15x1xf32>
    %iota3A_179 = tpu.iota {dimensions = array<i32: 0>} : vector<15x15xi32>
    %convert_element_type3A_180 = arith.sitofp %iota3A_179 : vector<15x15xi32> to vector<15x15xf32>
    %iota3A_181 = tpu.iota {dimensions = array<i32: 1>} : vector<15x15xi32>
    %convert_element_type3A_182 = arith.sitofp %iota3A_181 : vector<15x15xi32> to vector<15x15xf32>
    %eq3A_183 = arith.cmpf oeq, %convert_element_type3A_180, %convert_element_type3A_182 : vector<15x15xf32>
    %convert_element_type3A_184 = arith.extui %eq3A_183 : vector<15x15xi1> to vector<15x15xi32>
    %convert_element_type3A_185 = arith.sitofp %convert_element_type3A_184 : vector<15x15xi32> to vector<15x15xf32>
    %broadcast_in_dim3A_186 = arith.constant 1.000000e+00 : f32
    %broadcast_in_dim3A_187 = vector.broadcast %broadcast_in_dim3A_186 : f32 to vector<1x15xf32>
    %mul3A_188 = vector.broadcast %sub3A_178 : vector<15x1xf32> to vector<15x15xf32>
    %mul3A_189 = arith.mulf %convert_element_type3A_185, %mul3A_188 : vector<15x15xf32>
    %dot_general3A_190 = arith.constant dense<0.000000e+00> : vector<1x15xf32>
    %dot_general3A_191 = tpu.matmul %broadcast_in_dim3A_187, %mul3A_189, %dot_general3A_190 {dimension_numbers = #tpu.dot_dimension_numbers<[1], [0], [0], [1], [0, 0, 1, 1], [], []>, transpose_lhs_hint = false} : vector<1x15xf32>, vector<15x15xf32>, vector<1x15xf32> -> vector<1x15xf32>
    %mul3A_192 = vector.broadcast %convert_element_type3A_155 : vector<15x1xf32> to vector<15x15xf32>
    %mul3A_193 = arith.mulf %convert_element_type3A_185, %mul3A_192 : vector<15x15xf32>
    %dot_general3A_194 = arith.constant dense<0.000000e+00> : vector<1x15xf32>
    %dot_general3A_195 = tpu.matmul %broadcast_in_dim3A_187, %mul3A_193, %dot_general3A_194 {dimension_numbers = #tpu.dot_dimension_numbers<[1], [0], [0], [1], [0, 0, 1, 1], [], []>, transpose_lhs_hint = false} : vector<1x15xf32>, vector<15x15xf32>, vector<1x15xf32> -> vector<1x15xf32>
    %mul3A_196 = vector.broadcast %convert_element_type3A_149 : vector<15x1xf32> to vector<15x15xf32>
    %mul3A_197 = arith.mulf %convert_element_type3A_185, %mul3A_196 : vector<15x15xf32>
    %dot_general3A_198 = arith.constant dense<0.000000e+00> : vector<1x15xf32>
    %dot_general3A_199 = tpu.matmul %broadcast_in_dim3A_187, %mul3A_197, %dot_general3A_198 {dimension_numbers = #tpu.dot_dimension_numbers<[1], [0], [0], [1], [0, 0, 1, 1], [], []>, transpose_lhs_hint = false} : vector<1x15xf32>, vector<15x15xf32>, vector<1x15xf32> -> vector<1x15xf32>
    %eq3A_200 = vector.broadcast %dot_general3A_191 : vector<1x15xf32> to vector<15x15xf32>
    %eq3A_201 = arith.cmpf oeq, %eq3A_200, %convert_element_type3A_180 : vector<15x15xf32>
    %convert_element_type3A_202 = arith.extui %eq3A_201 : vector<15x15xi1> to vector<15x15xi32>
    %convert_element_type3A_203 = arith.sitofp %convert_element_type3A_202 : vector<15x15xi32> to vector<15x15xf32>
    %mul3A_204 = vector.broadcast %dot_general3A_195 : vector<1x15xf32> to vector<15x15xf32>
    %mul3A_205 = arith.mulf %convert_element_type3A_203, %mul3A_204 : vector<15x15xf32>
    %add3A_206 = arith.constant 1.000000e+00 : f32
    %add3A_207 = vector.broadcast %add3A_206 : f32 to vector<1x15xf32>
    %add3A_208 = arith.addf %dot_general3A_199, %add3A_207 : vector<1x15xf32>
    %mul3A_209 = vector.broadcast %add3A_208 : vector<1x15xf32> to vector<15x15xf32>
    %mul3A_210 = arith.mulf %mul3A_205, %mul3A_209 : vector<15x15xf32>
    %reduce_sum3A_211 = arith.constant dense<0.000000e+00> : vector<15xf32>
    %reduce_sum3A_212 = vector.multi_reduction <add>, %mul3A_210, %reduce_sum3A_211 [1] : vector<15x15xf32> to vector<15xf32>
    %broadcast_in_dim3A_213 = vector.shape_cast %reduce_sum3A_212 : vector<15xf32> to vector<15x1xf32>
    %sub3A_214 = arith.constant 1.000000e+00 : f32
    %sub3A_215 = vector.broadcast %sub3A_214 : f32 to vector<15x1xf32>
    %sub3A_216 = arith.subf %broadcast_in_dim3A_213, %sub3A_215 : vector<15x1xf32>
    %mul3A_217 = vector.broadcast %sub3A_216 : vector<15x1xf32> to vector<15x15xf32>
    %mul3A_218 = arith.mulf %convert_element_type3A_185, %mul3A_217 : vector<15x15xf32>
    %dot_general3A_219 = arith.constant dense<0.000000e+00> : vector<1x15xf32>
    %dot_general3A_220 = tpu.matmul %broadcast_in_dim3A_187, %mul3A_218, %dot_general3A_219 {dimension_numbers = #tpu.dot_dimension_numbers<[1], [0], [0], [1], [0, 0, 1, 1], [], []>, transpose_lhs_hint = false} : vector<1x15xf32>, vector<15x15xf32>, vector<1x15xf32> -> vector<1x15xf32>
    %add3A_221 = arith.constant 2.000000e+00 : f32
    %add3A_222 = vector.broadcast %add3A_221 : f32 to vector<15x1xf32>
    %add3A_223 = arith.addf %sub3A_178, %add3A_222 : vector<15x1xf32>
    %eq3A_224 = vector.broadcast %add3A_223 : vector<15x1xf32> to vector<15x15xf32>
    %eq3A_225 = arith.cmpf oeq, %eq3A_224, %convert_element_type3A_182 : vector<15x15xf32>
    %convert_element_type3A_226 = arith.extui %eq3A_225 : vector<15x15xi1> to vector<15x15xi32>
    %convert_element_type3A_227 = arith.sitofp %convert_element_type3A_226 : vector<15x15xi32> to vector<15x15xf32>
    %add3A_228 = arith.constant 1.000000e+00 : f32
    %add3A_229 = vector.broadcast %add3A_228 : f32 to vector<1x15xf32>
    %add3A_230 = arith.addf %dot_general3A_220, %add3A_229 : vector<1x15xf32>
    %mul3A_231 = vector.broadcast %add3A_230 : vector<1x15xf32> to vector<15x15xf32>
    %mul3A_232 = arith.mulf %convert_element_type3A_227, %mul3A_231 : vector<15x15xf32>
    %reduce_sum3A_233 = arith.constant dense<0.000000e+00> : vector<15xf32>
    %reduce_sum3A_234 = vector.multi_reduction <add>, %mul3A_232, %reduce_sum3A_233 [1] : vector<15x15xf32> to vector<15xf32>
    %broadcast_in_dim3A_235 = vector.shape_cast %reduce_sum3A_234 : vector<15xf32> to vector<15x1xf32>
    %sub3A_236 = arith.constant 1.000000e+00 : f32
    %sub3A_237 = vector.broadcast %sub3A_236 : f32 to vector<15x1xf32>
    %sub3A_238 = arith.subf %broadcast_in_dim3A_235, %sub3A_237 : vector<15x1xf32>
    %eq3A_239 = arith.constant 1.000000e+00 : f32
    %eq3A_240 = vector.broadcast %eq3A_239 : f32 to vector<15x15xf32>
    %eq3A_241 = arith.cmpf oeq, %convert_element_type3A_182, %eq3A_240 : vector<15x15xf32>
    %convert_element_type3A_242 = arith.extui %eq3A_241 : vector<15x15xi1> to vector<15x15xi32>
    %convert_element_type3A_243 = arith.sitofp %convert_element_type3A_242 : vector<15x15xi32> to vector<15x15xf32>
    %add3A_244 = arith.constant 1.000000e+00 : f32
    %add3A_245 = vector.broadcast %add3A_244 : f32 to vector<1x15xf32>
    %add3A_246 = arith.addf %dot_general3A_220, %add3A_245 : vector<1x15xf32>
    %mul3A_247 = vector.broadcast %add3A_246 : vector<1x15xf32> to vector<15x15xf32>
    %mul3A_248 = arith.mulf %convert_element_type3A_243, %mul3A_247 : vector<15x15xf32>
    %reduce_sum3A_249 = arith.constant dense<0.000000e+00> : vector<15xf32>
    %reduce_sum3A_250 = vector.multi_reduction <add>, %mul3A_248, %reduce_sum3A_249 [1] : vector<15x15xf32> to vector<15xf32>
    %broadcast_in_dim3A_251 = vector.shape_cast %reduce_sum3A_250 : vector<15xf32> to vector<15x1xf32>
    %sub3A_252 = arith.constant 1.000000e+00 : f32
    %sub3A_253 = vector.broadcast %sub3A_252 : f32 to vector<15x1xf32>
    %sub3A_254 = arith.subf %broadcast_in_dim3A_251, %sub3A_253 : vector<15x1xf32>
    %eq3A_255 = arith.constant 2.000000e+00 : f32
    %eq3A_256 = vector.broadcast %eq3A_255 : f32 to vector<15x15xf32>
    %eq3A_257 = arith.cmpf oeq, %convert_element_type3A_182, %eq3A_256 : vector<15x15xf32>
    %convert_element_type3A_258 = arith.extui %eq3A_257 : vector<15x15xi1> to vector<15x15xi32>
    %convert_element_type3A_259 = arith.sitofp %convert_element_type3A_258 : vector<15x15xi32> to vector<15x15xf32>
    %add3A_260 = arith.constant 1.000000e+00 : f32
    %add3A_261 = vector.broadcast %add3A_260 : f32 to vector<1x15xf32>
    %add3A_262 = arith.addf %dot_general3A_220, %add3A_261 : vector<1x15xf32>
    %mul3A_263 = vector.broadcast %add3A_262 : vector<1x15xf32> to vector<15x15xf32>
    %mul3A_264 = arith.mulf %convert_element_type3A_259, %mul3A_263 : vector<15x15xf32>
    %reduce_sum3A_265 = arith.constant dense<0.000000e+00> : vector<15xf32>
    %reduce_sum3A_266 = vector.multi_reduction <add>, %mul3A_264, %reduce_sum3A_265 [1] : vector<15x15xf32> to vector<15xf32>
    %broadcast_in_dim3A_267 = vector.shape_cast %reduce_sum3A_266 : vector<15xf32> to vector<15x1xf32>
    %sub3A_268 = arith.constant 1.000000e+00 : f32
    %sub3A_269 = vector.broadcast %sub3A_268 : f32 to vector<15x1xf32>
    %sub3A_270 = arith.subf %broadcast_in_dim3A_267, %sub3A_269 : vector<15x1xf32>
    %div3A_271 = arith.constant 3.000000e+00 : f32
    %div3A_272 = vector.broadcast %div3A_271 : f32 to vector<15x1xf32>
    %div3A_273 = arith.divf %sub3A_178, %div3A_272 : vector<15x1xf32>
    %floor3A = math.floor %div3A_273 : vector<15x1xf32>
    %mul3A_274 = arith.constant 3.000000e+00 : f32
    %mul3A_275 = vector.broadcast %mul3A_274 : f32 to vector<15x1xf32>
    %mul3A_276 = arith.mulf %mul3A_275, %floor3A : vector<15x1xf32>
    %sub3A_277 = arith.subf %sub3A_178, %mul3A_276 : vector<15x1xf32>
    %add3A_278 = arith.constant 2.000000e+00 : f32
    %add3A_279 = vector.broadcast %add3A_278 : f32 to vector<15x1xf32>
    %add3A_280 = arith.addf %sub3A_178, %add3A_279 : vector<15x1xf32>
    %add3A_281 = arith.constant 2.000000e+00 : f32
    %add3A_282 = vector.broadcast %add3A_281 : f32 to vector<15x1xf32>
    %add3A_283 = arith.addf %sub3A_178, %add3A_282 : vector<15x1xf32>
    %div3A_284 = arith.constant 3.000000e+00 : f32
    %div3A_285 = vector.broadcast %div3A_284 : f32 to vector<15x1xf32>
    %div3A_286 = arith.divf %add3A_283, %div3A_285 : vector<15x1xf32>
    %floor3A_287 = math.floor %div3A_286 : vector<15x1xf32>
    %mul3A_288 = arith.constant 3.000000e+00 : f32
    %mul3A_289 = vector.broadcast %mul3A_288 : f32 to vector<15x1xf32>
    %mul3A_290 = arith.mulf %mul3A_289, %floor3A_287 : vector<15x1xf32>
    %sub3A_291 = arith.subf %add3A_280, %mul3A_290 : vector<15x1xf32>
    %iota3A_292 = tpu.iota {dimensions = array<i32: 0>} : vector<15x1xi32>
    %sub3A_293 = arith.constant 1 : i32
    %sub3A_294 = vector.broadcast %sub3A_293 : i32 to vector<1x1xi32>
    %sub3A_295 = arith.subi %convert_element_type3A_126, %sub3A_294 : vector<1x1xi32>
    %min3A_296 = vector.broadcast %sub3A_295 : vector<1x1xi32> to vector<15x1xi32>
    %min3A_297 = arith.minsi %iota3A_292, %min3A_296 : vector<15x1xi32>
    %convert_element_type3A_298 = arith.sitofp %min3A_297 : vector<15x1xi32> to vector<15x1xf32>
    %concatenate3A_299 = tpu.concatenate %convert_element_type3A_149, %convert_element_type3A_155, %sub3A_277, %sub3A_238, %sub3A_291, %sub3A_254, %sub3A_270, %convert_element_type3A_298 in 1 : vector<15x1xf32>, vector<15x1xf32>, vector<15x1xf32>, vector<15x1xf32>, vector<15x1xf32>, vector<15x1xf32>, vector<15x1xf32>, vector<15x1xf32> -> vector<15x8xf32>
    %convert_element_type3A_300 = arith.fptosi %concatenate3A_299 : vector<15x8xf32> to vector<15x8xi32>
    %swap3A_301 = arith.constant 0 : index
    %swap3A_302 = arith.constant 0 : index
    %swap3A_303 = vector.load %arg5[%swap3A_301, %swap3A_302] : memref<15x8xi32, #tpu.memory_space<vmem>>, vector<15x8xi32>
    tpu.vector_store %arg5[%swap3A_301, %swap3A_302], %convert_element_type3A_300 {strides = array<i32>} : memref<15x8xi32, #tpu.memory_space<vmem>>, vector<15x8xi32>,
    return
  }
}

module attributes {stable_mosaic.version = 14 : i64} {
  func.func @_expert_kernel(%arg0: i32, %arg1: memref<15xi32, #tpu.memory_space<smem>>, %arg2: memref<15x8xi32, #tpu.memory_space<smem>>, %arg3: memref<512x384xi32, #tpu.memory_space<vmem>>, %arg4: memref<8x768x768xf32, #tpu.memory_space<hbm>>, %arg5: memref<1x1x768xf32, #tpu.memory_space<vmem>>, %arg6: memref<8x768x768xf32, #tpu.memory_space<hbm>>, %arg7: memref<1x1x768xf32, #tpu.memory_space<vmem>>, %arg8: memref<512x768xf32, #tpu.memory_space<vmem>>, %arg9: memref<3x768x768xf32, #tpu.memory_space<vmem>>, %arg10: memref<3x768x768xf32, #tpu.memory_space<vmem>>, %arg11: memref<3x!tpu.dma_semaphore, #tpu.memory_space<semaphore_mem>>, %arg12: memref<3x!tpu.dma_semaphore, #tpu.memory_space<semaphore_mem>>) attributes {dimension_semantics = [#tpu.dimension_semantics<arbitrary>], iteration_bounds = array<i64: 15>, scalar_prefetch = 2 : i64, scratch_operands = 4 : i64, tpu.core_type = #tpu.core_type<tc>, window_params = [{transform_indices = @transform_0, window_bounds = array<i64: 512, 384>}, {}, {transform_indices = @transform_2, window_bounds = array<i64: 1, 1, 768>}, {}, {transform_indices = @transform_4, window_bounds = array<i64: 1, 1, 768>}, {transform_indices = @transform_5, window_bounds = array<i64: 512, 768>}]} {
    %get3A = arith.index_cast %arg0 : i32 to index
    %get3A_0 = arith.constant 0 : index
    %get3A_1 = memref.load %arg2[%get3A, %get3A_0] : memref<15x8xi32, #tpu.memory_space<smem>>
    %get3A_2 = arith.index_cast %arg0 : i32 to index
    %get3A_3 = arith.constant 1 : index
    %get3A_4 = memref.load %arg2[%get3A_2, %get3A_3] : memref<15x8xi32, #tpu.memory_space<smem>>
    %get3A_5 = arith.index_cast %arg0 : i32 to index
    %get3A_6 = arith.constant 2 : index
    %get3A_7 = memref.load %arg2[%get3A_5, %get3A_6] : memref<15x8xi32, #tpu.memory_space<smem>>
    %get3A_8 = arith.index_cast %arg0 : i32 to index
    %get3A_9 = arith.constant 3 : index
    %get3A_10 = memref.load %arg2[%get3A_8, %get3A_9] : memref<15x8xi32, #tpu.memory_space<smem>>
    %get3A_11 = arith.index_cast %arg0 : i32 to index
    %get3A_12 = arith.constant 4 : index
    %get3A_13 = memref.load %arg2[%get3A_11, %get3A_12] : memref<15x8xi32, #tpu.memory_space<smem>>
    %get3A_14 = arith.index_cast %arg0 : i32 to index
    %get3A_15 = arith.constant 5 : index
    %get3A_16 = memref.load %arg2[%get3A_14, %get3A_15] : memref<15x8xi32, #tpu.memory_space<smem>>
    %get3A_17 = arith.index_cast %arg0 : i32 to index
    %get3A_18 = arith.constant 6 : index
    %get3A_19 = memref.load %arg2[%get3A_17, %get3A_18] : memref<15x8xi32, #tpu.memory_space<smem>>
    %eq3A = arith.constant 0 : i32
    %eq3A_20 = arith.cmpi eq, %arg0, %eq3A : i32
    %convert_element_type3A = arith.extui %eq3A_20 : i1 to i32
    %cond3A = arith.constant 0 : i32
    %cond3A_21 = arith.cmpi ne, %convert_element_type3A, %cond3A : i32
    scf.if %cond3A_21 {
      %dma_start3A = arith.constant 0 : i32
      %dma_start3A_101 = arith.constant 0 : i32
      %dma_start3A_102 = tpu.memref_slice %arg11[%dma_start3A_101] : memref<3x!tpu.dma_semaphore, #tpu.memory_space<semaphore_mem>> -> memref<1x!tpu.dma_semaphore, #tpu.memory_space<semaphore_mem>>
      %dma_start3A_103 = tpu.memref_squeeze %dma_start3A_102 : memref<1x!tpu.dma_semaphore, #tpu.memory_space<semaphore_mem>> -> memref<!tpu.dma_semaphore, #tpu.memory_space<semaphore_mem>>
      %dma_start3A_104 = arith.constant 0 : i32
      %dma_start3A_105 = arith.constant 0 : i32
      %dma_start3A_106 = tpu.memref_slice %arg9[%dma_start3A, %dma_start3A_104, %dma_start3A_105] : memref<3x768x768xf32, #tpu.memory_space<vmem>> -> memref<1x768x768xf32, #tpu.memory_space<vmem>>
      %dma_start3A_107 = tpu.memref_squeeze %dma_start3A_106 : memref<1x768x768xf32, #tpu.memory_space<vmem>> -> memref<768x768xf32, #tpu.memory_space<vmem>>
      %dma_start3A_108 = arith.constant 0 : i32
      %dma_start3A_109 = arith.constant 0 : i32
      %dma_start3A_110 = tpu.memref_slice %arg4[%get3A_1, %dma_start3A_108, %dma_start3A_109] : memref<8x768x768xf32, #tpu.memory_space<hbm>> -> memref<1x768x768xf32, #tpu.memory_space<hbm>>
      %dma_start3A_111 = tpu.memref_squeeze %dma_start3A_110 : memref<1x768x768xf32, #tpu.memory_space<hbm>> -> memref<768x768xf32, #tpu.memory_space<hbm>>
      tpu.enqueue_dma source(%dma_start3A_111 : memref<768x768xf32, #tpu.memory_space<hbm>>) target(%dma_start3A_107 : memref<768x768xf32, #tpu.memory_space<vmem>>) target_semaphore(%dma_start3A_103 : memref<!tpu.dma_semaphore, #tpu.memory_space<semaphore_mem>>)
      %dma_start3A_112 = arith.constant 0 : i32
      %dma_start3A_113 = arith.constant 0 : i32
      %dma_start3A_114 = tpu.memref_slice %arg12[%dma_start3A_113] : memref<3x!tpu.dma_semaphore, #tpu.memory_space<semaphore_mem>> -> memref<1x!tpu.dma_semaphore, #tpu.memory_space<semaphore_mem>>
      %dma_start3A_115 = tpu.memref_squeeze %dma_start3A_114 : memref<1x!tpu.dma_semaphore, #tpu.memory_space<semaphore_mem>> -> memref<!tpu.dma_semaphore, #tpu.memory_space<semaphore_mem>>
      %dma_start3A_116 = arith.constant 0 : i32
      %dma_start3A_117 = arith.constant 0 : i32
      %dma_start3A_118 = tpu.memref_slice %arg10[%dma_start3A_112, %dma_start3A_116, %dma_start3A_117] : memref<3x768x768xf32, #tpu.memory_space<vmem>> -> memref<1x768x768xf32, #tpu.memory_space<vmem>>
      %dma_start3A_119 = tpu.memref_squeeze %dma_start3A_118 : memref<1x768x768xf32, #tpu.memory_space<vmem>> -> memref<768x768xf32, #tpu.memory_space<vmem>>
      %dma_start3A_120 = arith.constant 0 : i32
      %dma_start3A_121 = arith.constant 0 : i32
      %dma_start3A_122 = tpu.memref_slice %arg6[%get3A_1, %dma_start3A_120, %dma_start3A_121] : memref<8x768x768xf32, #tpu.memory_space<hbm>> -> memref<1x768x768xf32, #tpu.memory_space<hbm>>
      %dma_start3A_123 = tpu.memref_squeeze %dma_start3A_122 : memref<1x768x768xf32, #tpu.memory_space<hbm>> -> memref<768x768xf32, #tpu.memory_space<hbm>>
      tpu.enqueue_dma source(%dma_start3A_123 : memref<768x768xf32, #tpu.memory_space<hbm>>) target(%dma_start3A_119 : memref<768x768xf32, #tpu.memory_space<vmem>>) target_semaphore(%dma_start3A_115 : memref<!tpu.dma_semaphore, #tpu.memory_space<semaphore_mem>>)
    } else {
    }
    %eq3A_22 = arith.constant 0 : i32
    %eq3A_23 = arith.cmpi eq, %arg0, %eq3A_22 : i32
    %ge3A = arith.constant 0 : i32
    %ge3A_24 = arith.cmpi sge, %get3A_16, %ge3A : i32
    %and3A = arith.andi %eq3A_23, %ge3A_24 : i1
    %convert_element_type3A_25 = arith.extui %and3A : i1 to i32
    %cond3A_26 = arith.constant 0 : i32
    %cond3A_27 = arith.cmpi ne, %convert_element_type3A_25, %cond3A_26 : i32
    scf.if %cond3A_27 {
      %dma_start3A = arith.constant 1 : i32
      %dma_start3A_101 = arith.constant 1 : i32
      %dma_start3A_102 = tpu.memref_slice %arg11[%dma_start3A_101] : memref<3x!tpu.dma_semaphore, #tpu.memory_space<semaphore_mem>> -> memref<1x!tpu.dma_semaphore, #tpu.memory_space<semaphore_mem>>
      %dma_start3A_103 = tpu.memref_squeeze %dma_start3A_102 : memref<1x!tpu.dma_semaphore, #tpu.memory_space<semaphore_mem>> -> memref<!tpu.dma_semaphore, #tpu.memory_space<semaphore_mem>>
      %dma_start3A_104 = arith.constant 0 : i32
      %dma_start3A_105 = arith.constant 0 : i32
      %dma_start3A_106 = tpu.memref_slice %arg9[%dma_start3A, %dma_start3A_104, %dma_start3A_105] : memref<3x768x768xf32, #tpu.memory_space<vmem>> -> memref<1x768x768xf32, #tpu.memory_space<vmem>>
      %dma_start3A_107 = tpu.memref_squeeze %dma_start3A_106 : memref<1x768x768xf32, #tpu.memory_space<vmem>> -> memref<768x768xf32, #tpu.memory_space<vmem>>
      %dma_start3A_108 = arith.constant 0 : i32
      %dma_start3A_109 = arith.constant 0 : i32
      %dma_start3A_110 = tpu.memref_slice %arg4[%get3A_16, %dma_start3A_108, %dma_start3A_109] : memref<8x768x768xf32, #tpu.memory_space<hbm>> -> memref<1x768x768xf32, #tpu.memory_space<hbm>>
      %dma_start3A_111 = tpu.memref_squeeze %dma_start3A_110 : memref<1x768x768xf32, #tpu.memory_space<hbm>> -> memref<768x768xf32, #tpu.memory_space<hbm>>
      tpu.enqueue_dma source(%dma_start3A_111 : memref<768x768xf32, #tpu.memory_space<hbm>>) target(%dma_start3A_107 : memref<768x768xf32, #tpu.memory_space<vmem>>) target_semaphore(%dma_start3A_103 : memref<!tpu.dma_semaphore, #tpu.memory_space<semaphore_mem>>)
      %dma_start3A_112 = arith.constant 1 : i32
      %dma_start3A_113 = arith.constant 1 : i32
      %dma_start3A_114 = tpu.memref_slice %arg12[%dma_start3A_113] : memref<3x!tpu.dma_semaphore, #tpu.memory_space<semaphore_mem>> -> memref<1x!tpu.dma_semaphore, #tpu.memory_space<semaphore_mem>>
      %dma_start3A_115 = tpu.memref_squeeze %dma_start3A_114 : memref<1x!tpu.dma_semaphore, #tpu.memory_space<semaphore_mem>> -> memref<!tpu.dma_semaphore, #tpu.memory_space<semaphore_mem>>
      %dma_start3A_116 = arith.constant 0 : i32
      %dma_start3A_117 = arith.constant 0 : i32
      %dma_start3A_118 = tpu.memref_slice %arg10[%dma_start3A_112, %dma_start3A_116, %dma_start3A_117] : memref<3x768x768xf32, #tpu.memory_space<vmem>> -> memref<1x768x768xf32, #tpu.memory_space<vmem>>
      %dma_start3A_119 = tpu.memref_squeeze %dma_start3A_118 : memref<1x768x768xf32, #tpu.memory_space<vmem>> -> memref<768x768xf32, #tpu.memory_space<vmem>>
      %dma_start3A_120 = arith.constant 0 : i32
      %dma_start3A_121 = arith.constant 0 : i32
      %dma_start3A_122 = tpu.memref_slice %arg6[%get3A_16, %dma_start3A_120, %dma_start3A_121] : memref<8x768x768xf32, #tpu.memory_space<hbm>> -> memref<1x768x768xf32, #tpu.memory_space<hbm>>
      %dma_start3A_123 = tpu.memref_squeeze %dma_start3A_122 : memref<1x768x768xf32, #tpu.memory_space<hbm>> -> memref<768x768xf32, #tpu.memory_space<hbm>>
      tpu.enqueue_dma source(%dma_start3A_123 : memref<768x768xf32, #tpu.memory_space<hbm>>) target(%dma_start3A_119 : memref<768x768xf32, #tpu.memory_space<vmem>>) target_semaphore(%dma_start3A_115 : memref<!tpu.dma_semaphore, #tpu.memory_space<semaphore_mem>>)
    } else {
    }
    %eq3A_28 = arith.constant 0 : i32
    %eq3A_29 = arith.cmpi eq, %arg0, %eq3A_28 : i32
    %ge3A_30 = arith.constant 0 : i32
    %ge3A_31 = arith.cmpi sge, %get3A_19, %ge3A_30 : i32
    %and3A_32 = arith.andi %eq3A_29, %ge3A_31 : i1
    %convert_element_type3A_33 = arith.extui %and3A_32 : i1 to i32
    %cond3A_34 = arith.constant 0 : i32
    %cond3A_35 = arith.cmpi ne, %convert_element_type3A_33, %cond3A_34 : i32
    scf.if %cond3A_35 {
      %dma_start3A = arith.constant 2 : i32
      %dma_start3A_101 = arith.constant 2 : i32
      %dma_start3A_102 = tpu.memref_slice %arg11[%dma_start3A_101] : memref<3x!tpu.dma_semaphore, #tpu.memory_space<semaphore_mem>> -> memref<1x!tpu.dma_semaphore, #tpu.memory_space<semaphore_mem>>
      %dma_start3A_103 = tpu.memref_squeeze %dma_start3A_102 : memref<1x!tpu.dma_semaphore, #tpu.memory_space<semaphore_mem>> -> memref<!tpu.dma_semaphore, #tpu.memory_space<semaphore_mem>>
      %dma_start3A_104 = arith.constant 0 : i32
      %dma_start3A_105 = arith.constant 0 : i32
      %dma_start3A_106 = tpu.memref_slice %arg9[%dma_start3A, %dma_start3A_104, %dma_start3A_105] : memref<3x768x768xf32, #tpu.memory_space<vmem>> -> memref<1x768x768xf32, #tpu.memory_space<vmem>>
      %dma_start3A_107 = tpu.memref_squeeze %dma_start3A_106 : memref<1x768x768xf32, #tpu.memory_space<vmem>> -> memref<768x768xf32, #tpu.memory_space<vmem>>
      %dma_start3A_108 = arith.constant 0 : i32
      %dma_start3A_109 = arith.constant 0 : i32
      %dma_start3A_110 = tpu.memref_slice %arg4[%get3A_19, %dma_start3A_108, %dma_start3A_109] : memref<8x768x768xf32, #tpu.memory_space<hbm>> -> memref<1x768x768xf32, #tpu.memory_space<hbm>>
      %dma_start3A_111 = tpu.memref_squeeze %dma_start3A_110 : memref<1x768x768xf32, #tpu.memory_space<hbm>> -> memref<768x768xf32, #tpu.memory_space<hbm>>
      tpu.enqueue_dma source(%dma_start3A_111 : memref<768x768xf32, #tpu.memory_space<hbm>>) target(%dma_start3A_107 : memref<768x768xf32, #tpu.memory_space<vmem>>) target_semaphore(%dma_start3A_103 : memref<!tpu.dma_semaphore, #tpu.memory_space<semaphore_mem>>)
      %dma_start3A_112 = arith.constant 2 : i32
      %dma_start3A_113 = arith.constant 2 : i32
      %dma_start3A_114 = tpu.memref_slice %arg12[%dma_start3A_113] : memref<3x!tpu.dma_semaphore, #tpu.memory_space<semaphore_mem>> -> memref<1x!tpu.dma_semaphore, #tpu.memory_space<semaphore_mem>>
      %dma_start3A_115 = tpu.memref_squeeze %dma_start3A_114 : memref<1x!tpu.dma_semaphore, #tpu.memory_space<semaphore_mem>> -> memref<!tpu.dma_semaphore, #tpu.memory_space<semaphore_mem>>
      %dma_start3A_116 = arith.constant 0 : i32
      %dma_start3A_117 = arith.constant 0 : i32
      %dma_start3A_118 = tpu.memref_slice %arg10[%dma_start3A_112, %dma_start3A_116, %dma_start3A_117] : memref<3x768x768xf32, #tpu.memory_space<vmem>> -> memref<1x768x768xf32, #tpu.memory_space<vmem>>
      %dma_start3A_119 = tpu.memref_squeeze %dma_start3A_118 : memref<1x768x768xf32, #tpu.memory_space<vmem>> -> memref<768x768xf32, #tpu.memory_space<vmem>>
      %dma_start3A_120 = arith.constant 0 : i32
      %dma_start3A_121 = arith.constant 0 : i32
      %dma_start3A_122 = tpu.memref_slice %arg6[%get3A_19, %dma_start3A_120, %dma_start3A_121] : memref<8x768x768xf32, #tpu.memory_space<hbm>> -> memref<1x768x768xf32, #tpu.memory_space<hbm>>
      %dma_start3A_123 = tpu.memref_squeeze %dma_start3A_122 : memref<1x768x768xf32, #tpu.memory_space<hbm>> -> memref<768x768xf32, #tpu.memory_space<hbm>>
      tpu.enqueue_dma source(%dma_start3A_123 : memref<768x768xf32, #tpu.memory_space<hbm>>) target(%dma_start3A_119 : memref<768x768xf32, #tpu.memory_space<vmem>>) target_semaphore(%dma_start3A_115 : memref<!tpu.dma_semaphore, #tpu.memory_space<semaphore_mem>>)
    } else {
    }
    %gt3A = arith.constant 0 : i32
    %gt3A_36 = arith.cmpi sgt, %arg0, %gt3A : i32
    %eq3A_37 = arith.constant 1 : i32
    %eq3A_38 = arith.cmpi eq, %get3A_4, %eq3A_37 : i32
    %ge3A_39 = arith.constant 0 : i32
    %ge3A_40 = arith.cmpi sge, %get3A_10, %ge3A_39 : i32
    %and3A_41 = arith.andi %eq3A_38, %ge3A_40 : i1
    %and3A_42 = arith.andi %gt3A_36, %and3A_41 : i1
    %convert_element_type3A_43 = arith.extui %and3A_42 : i1 to i32
    %cond3A_44 = arith.constant 0 : i32
    %cond3A_45 = arith.cmpi ne, %convert_element_type3A_43, %cond3A_44 : i32
    scf.if %cond3A_45 {
      %dma_start3A = tpu.memref_slice %arg11[%get3A_13] : memref<3x!tpu.dma_semaphore, #tpu.memory_space<semaphore_mem>> -> memref<1x!tpu.dma_semaphore, #tpu.memory_space<semaphore_mem>>
      %dma_start3A_101 = tpu.memref_squeeze %dma_start3A : memref<1x!tpu.dma_semaphore, #tpu.memory_space<semaphore_mem>> -> memref<!tpu.dma_semaphore, #tpu.memory_space<semaphore_mem>>
      %dma_start3A_102 = arith.constant 0 : i32
      %dma_start3A_103 = arith.constant 0 : i32
      %dma_start3A_104 = tpu.memref_slice %arg9[%get3A_13, %dma_start3A_102, %dma_start3A_103] : memref<3x768x768xf32, #tpu.memory_space<vmem>> -> memref<1x768x768xf32, #tpu.memory_space<vmem>>
      %dma_start3A_105 = tpu.memref_squeeze %dma_start3A_104 : memref<1x768x768xf32, #tpu.memory_space<vmem>> -> memref<768x768xf32, #tpu.memory_space<vmem>>
      %dma_start3A_106 = arith.constant 0 : i32
      %dma_start3A_107 = arith.constant 0 : i32
      %dma_start3A_108 = tpu.memref_slice %arg4[%get3A_10, %dma_start3A_106, %dma_start3A_107] : memref<8x768x768xf32, #tpu.memory_space<hbm>> -> memref<1x768x768xf32, #tpu.memory_space<hbm>>
      %dma_start3A_109 = tpu.memref_squeeze %dma_start3A_108 : memref<1x768x768xf32, #tpu.memory_space<hbm>> -> memref<768x768xf32, #tpu.memory_space<hbm>>
      tpu.enqueue_dma source(%dma_start3A_109 : memref<768x768xf32, #tpu.memory_space<hbm>>) target(%dma_start3A_105 : memref<768x768xf32, #tpu.memory_space<vmem>>) target_semaphore(%dma_start3A_101 : memref<!tpu.dma_semaphore, #tpu.memory_space<semaphore_mem>>)
      %dma_start3A_110 = tpu.memref_slice %arg12[%get3A_13] : memref<3x!tpu.dma_semaphore, #tpu.memory_space<semaphore_mem>> -> memref<1x!tpu.dma_semaphore, #tpu.memory_space<semaphore_mem>>
      %dma_start3A_111 = tpu.memref_squeeze %dma_start3A_110 : memref<1x!tpu.dma_semaphore, #tpu.memory_space<semaphore_mem>> -> memref<!tpu.dma_semaphore, #tpu.memory_space<semaphore_mem>>
      %dma_start3A_112 = arith.constant 0 : i32
      %dma_start3A_113 = arith.constant 0 : i32
      %dma_start3A_114 = tpu.memref_slice %arg10[%get3A_13, %dma_start3A_112, %dma_start3A_113] : memref<3x768x768xf32, #tpu.memory_space<vmem>> -> memref<1x768x768xf32, #tpu.memory_space<vmem>>
      %dma_start3A_115 = tpu.memref_squeeze %dma_start3A_114 : memref<1x768x768xf32, #tpu.memory_space<vmem>> -> memref<768x768xf32, #tpu.memory_space<vmem>>
      %dma_start3A_116 = arith.constant 0 : i32
      %dma_start3A_117 = arith.constant 0 : i32
      %dma_start3A_118 = tpu.memref_slice %arg6[%get3A_10, %dma_start3A_116, %dma_start3A_117] : memref<8x768x768xf32, #tpu.memory_space<hbm>> -> memref<1x768x768xf32, #tpu.memory_space<hbm>>
      %dma_start3A_119 = tpu.memref_squeeze %dma_start3A_118 : memref<1x768x768xf32, #tpu.memory_space<hbm>> -> memref<768x768xf32, #tpu.memory_space<hbm>>
      tpu.enqueue_dma source(%dma_start3A_119 : memref<768x768xf32, #tpu.memory_space<hbm>>) target(%dma_start3A_115 : memref<768x768xf32, #tpu.memory_space<vmem>>) target_semaphore(%dma_start3A_111 : memref<!tpu.dma_semaphore, #tpu.memory_space<semaphore_mem>>)
    } else {
    }
    %eq3A_46 = arith.constant 1 : i32
    %eq3A_47 = arith.cmpi eq, %get3A_4, %eq3A_46 : i32
    %convert_element_type3A_48 = arith.extui %eq3A_47 : i1 to i32
    %cond3A_49 = arith.constant 0 : i32
    %cond3A_50 = arith.cmpi ne, %convert_element_type3A_48, %cond3A_49 : i32
    scf.if %cond3A_50 {
      %dma_wait3A = arith.constant 0 : i32
      %dma_wait3A_101 = tpu.memref_slice %arg11[%get3A_7] : memref<3x!tpu.dma_semaphore, #tpu.memory_space<semaphore_mem>> -> memref<1x!tpu.dma_semaphore, #tpu.memory_space<semaphore_mem>>
      %dma_wait3A_102 = tpu.memref_squeeze %dma_wait3A_101 : memref<1x!tpu.dma_semaphore, #tpu.memory_space<semaphore_mem>> -> memref<!tpu.dma_semaphore, #tpu.memory_space<semaphore_mem>>
      %dma_wait3A_103 = arith.constant 0 : i32
      %dma_wait3A_104 = arith.constant 0 : i32
      %dma_wait3A_105 = tpu.memref_slice %arg9[%get3A_7, %dma_wait3A_103, %dma_wait3A_104] : memref<3x768x768xf32, #tpu.memory_space<vmem>> -> memref<1x768x768xf32, #tpu.memory_space<vmem>>
      %dma_wait3A_106 = tpu.memref_squeeze %dma_wait3A_105 : memref<1x768x768xf32, #tpu.memory_space<vmem>> -> memref<768x768xf32, #tpu.memory_space<vmem>>
      %dma_wait3A_107 = arith.constant 0 : i32
      %dma_wait3A_108 = arith.constant 0 : i32
      %dma_wait3A_109 = tpu.memref_slice %arg4[%dma_wait3A, %dma_wait3A_107, %dma_wait3A_108] : memref<8x768x768xf32, #tpu.memory_space<hbm>> -> memref<1x768x768xf32, #tpu.memory_space<hbm>>
      %dma_wait3A_110 = tpu.memref_squeeze %dma_wait3A_109 : memref<1x768x768xf32, #tpu.memory_space<hbm>> -> memref<768x768xf32, #tpu.memory_space<hbm>>
      tpu.wait_dma2 semaphore(%dma_wait3A_102 : memref<!tpu.dma_semaphore, #tpu.memory_space<semaphore_mem>>) src(%dma_wait3A_110 : memref<768x768xf32, #tpu.memory_space<hbm>>) dst(%dma_wait3A_106 : memref<768x768xf32, #tpu.memory_space<vmem>>)
      %dma_wait3A_111 = arith.constant 0 : i32
      %dma_wait3A_112 = tpu.memref_slice %arg12[%get3A_7] : memref<3x!tpu.dma_semaphore, #tpu.memory_space<semaphore_mem>> -> memref<1x!tpu.dma_semaphore, #tpu.memory_space<semaphore_mem>>
      %dma_wait3A_113 = tpu.memref_squeeze %dma_wait3A_112 : memref<1x!tpu.dma_semaphore, #tpu.memory_space<semaphore_mem>> -> memref<!tpu.dma_semaphore, #tpu.memory_space<semaphore_mem>>
      %dma_wait3A_114 = arith.constant 0 : i32
      %dma_wait3A_115 = arith.constant 0 : i32
      %dma_wait3A_116 = tpu.memref_slice %arg10[%get3A_7, %dma_wait3A_114, %dma_wait3A_115] : memref<3x768x768xf32, #tpu.memory_space<vmem>> -> memref<1x768x768xf32, #tpu.memory_space<vmem>>
      %dma_wait3A_117 = tpu.memref_squeeze %dma_wait3A_116 : memref<1x768x768xf32, #tpu.memory_space<vmem>> -> memref<768x768xf32, #tpu.memory_space<vmem>>
      %dma_wait3A_118 = arith.constant 0 : i32
      %dma_wait3A_119 = arith.constant 0 : i32
      %dma_wait3A_120 = tpu.memref_slice %arg6[%dma_wait3A_111, %dma_wait3A_118, %dma_wait3A_119] : memref<8x768x768xf32, #tpu.memory_space<hbm>> -> memref<1x768x768xf32, #tpu.memory_space<hbm>>
      %dma_wait3A_121 = tpu.memref_squeeze %dma_wait3A_120 : memref<1x768x768xf32, #tpu.memory_space<hbm>> -> memref<768x768xf32, #tpu.memory_space<hbm>>
      tpu.wait_dma2 semaphore(%dma_wait3A_113 : memref<!tpu.dma_semaphore, #tpu.memory_space<semaphore_mem>>) src(%dma_wait3A_121 : memref<768x768xf32, #tpu.memory_space<hbm>>) dst(%dma_wait3A_117 : memref<768x768xf32, #tpu.memory_space<vmem>>)
    } else {
    }
    %get3A_51 = arith.constant 0 : index
    %get3A_52 = arith.constant 0 : index
    %get3A_53 = vector.load %arg3[%get3A_51, %get3A_52] : memref<512x384xi32, #tpu.memory_space<vmem>>, vector<512x384xi32>
    %shift_left3A = arith.constant 16 : i32
    %shift_left3A_54 = vector.broadcast %shift_left3A : i32 to vector<512x384xi32>
    %shift_left3A_55 = arith.shli %get3A_53, %shift_left3A_54 : vector<512x384xi32>
    %bitcast_convert_type3A = tpu.bitcast %shift_left3A_55 : vector<512x384xi32> -> vector<512x384xf32>
    %and3A_56 = arith.constant -65536 : i32
    %and3A_57 = vector.broadcast %and3A_56 : i32 to vector<512x384xi32>
    %and3A_58 = arith.andi %get3A_53, %and3A_57 : vector<512x384xi32>
    %bitcast_convert_type3A_59 = tpu.bitcast %and3A_58 : vector<512x384xi32> -> vector<512x384xf32>
    %concatenate3A = tpu.concatenate %bitcast_convert_type3A, %bitcast_convert_type3A_59 in 1 : vector<512x384xf32>, vector<512x384xf32> -> vector<512x768xf32>
    %convert_element_type3A_60 = arith.truncf %concatenate3A : vector<512x768xf32> to vector<512x768xbf16>
    %get3A_61 = arith.index_cast %get3A_7 : i32 to index
    %get3A_62 = arith.constant 0 : index
    %get3A_63 = arith.constant 0 : index
    %get3A_64 = vector.load %arg9[%get3A_61, %get3A_62, %get3A_63] : memref<3x768x768xf32, #tpu.memory_space<vmem>>, vector<1x768x768xf32>
    %get3A_65 = vector.shape_cast %get3A_64 : vector<1x768x768xf32> to vector<768x768xf32>
    %convert_element_type3A_66 = arith.truncf %get3A_65 : vector<768x768xf32> to vector<768x768xbf16>
    %dot_general3A = arith.constant dense<0.000000e+00> : vector<512x768xf32>
    %dot_general3A_67 = tpu.matmul %convert_element_type3A_60, %convert_element_type3A_66, %dot_general3A {dimension_numbers = #tpu.dot_dimension_numbers<[1], [0], [0], [1], [0, 0, 1, 1], [], []>, transpose_lhs_hint = false} : vector<512x768xbf16>, vector<768x768xbf16>, vector<512x768xf32> -> vector<512x768xf32>
    %get3A_68 = arith.constant 0 : index
    %get3A_69 = arith.constant 0 : index
    %get3A_70 = arith.constant 0 : index
    %get3A_71 = vector.load %arg5[%get3A_68, %get3A_69, %get3A_70] : memref<1x1x768xf32, #tpu.memory_space<vmem>>, vector<1x1x768xf32>
    %get3A_72 = vector.shape_cast %get3A_71 : vector<1x1x768xf32> to vector<1x768xf32>
    %add3A = vector.broadcast %get3A_72 : vector<1x768xf32> to vector<512x768xf32>
    %add3A_73 = arith.addf %dot_general3A_67, %add3A : vector<512x768xf32>
    %mul3A = arith.constant 5.000000e-01 : f32
    %mul3A_74 = vector.broadcast %mul3A : f32 to vector<512x768xf32>
    %mul3A_75 = arith.mulf %mul3A_74, %add3A_73 : vector<512x768xf32>
    %mul3A_76 = arith.constant 0.707106769 : f32
    %mul3A_77 = vector.broadcast %mul3A_76 : f32 to vector<512x768xf32>
    %mul3A_78 = arith.mulf %add3A_73, %mul3A_77 : vector<512x768xf32>
    %erf3A = math.erf %mul3A_78 : vector<512x768xf32>
    %add3A_79 = arith.constant 1.000000e+00 : f32
    %add3A_80 = vector.broadcast %add3A_79 : f32 to vector<512x768xf32>
    %add3A_81 = arith.addf %add3A_80, %erf3A : vector<512x768xf32>
    %mul3A_82 = arith.mulf %mul3A_75, %add3A_81 : vector<512x768xf32>
    %convert_element_type3A_83 = arith.truncf %mul3A_82 : vector<512x768xf32> to vector<512x768xbf16>
    %get3A_84 = arith.index_cast %get3A_7 : i32 to index
    %get3A_85 = arith.constant 0 : index
    %get3A_86 = arith.constant 0 : index
    %get3A_87 = vector.load %arg10[%get3A_84, %get3A_85, %get3A_86] : memref<3x768x768xf32, #tpu.memory_space<vmem>>, vector<1x768x768xf32>
    %get3A_88 = vector.shape_cast %get3A_87 : vector<1x768x768xf32> to vector<768x768xf32>
    %convert_element_type3A_89 = arith.truncf %get3A_88 : vector<768x768xf32> to vector<768x768xbf16>
    %dot_general3A_90 = arith.constant dense<0.000000e+00> : vector<512x768xf32>
    %dot_general3A_91 = tpu.matmul %convert_element_type3A_83, %convert_element_type3A_89, %dot_general3A_90 {dimension_numbers = #tpu.dot_dimension_numbers<[1], [0], [0], [1], [0, 0, 1, 1], [], []>, transpose_lhs_hint = false} : vector<512x768xbf16>, vector<768x768xbf16>, vector<512x768xf32> -> vector<512x768xf32>
    %get3A_92 = arith.constant 0 : index
    %get3A_93 = arith.constant 0 : index
    %get3A_94 = arith.constant 0 : index
    %get3A_95 = vector.load %arg7[%get3A_92, %get3A_93, %get3A_94] : memref<1x1x768xf32, #tpu.memory_space<vmem>>, vector<1x1x768xf32>
    %get3A_96 = vector.shape_cast %get3A_95 : vector<1x1x768xf32> to vector<1x768xf32>
    %add3A_97 = vector.broadcast %get3A_96 : vector<1x768xf32> to vector<512x768xf32>
    %add3A_98 = arith.addf %dot_general3A_91, %add3A_97 : vector<512x768xf32>
    %swap3A = arith.constant 0 : index
    %swap3A_99 = arith.constant 0 : index
    %swap3A_100 = vector.load %arg8[%swap3A, %swap3A_99] : memref<512x768xf32, #tpu.memory_space<vmem>>, vector<512x768xf32>
    tpu.vector_store %arg8[%swap3A, %swap3A_99], %add3A_98 {strides = array<i32>} : memref<512x768xf32, #tpu.memory_space<vmem>>, vector<512x768xf32>,
    return
  }
  func.func @transform_0(%arg0: i32, %arg1: memref<15xi32, #tpu.memory_space<smem>>, %arg2: memref<15x8xi32, #tpu.memory_space<smem>>) -> (i32, i32) {
    %get3A = arith.index_cast %arg0 : i32 to index
    %get3A_0 = arith.constant 7 : index
    %get3A_1 = memref.load %arg2[%get3A, %get3A_0] : memref<15x8xi32, #tpu.memory_space<smem>>
    %c0_i32 = arith.constant 0 : i32
    %c0_i32_2 = arith.constant 0 : i32
    return %get3A_1, %c0_i32 : i32, i32
  }
  func.func @transform_2(%arg0: i32, %arg1: memref<15xi32, #tpu.memory_space<smem>>, %arg2: memref<15x8xi32, #tpu.memory_space<smem>>) -> (i32, i32, i32) {
    %get3A = arith.index_cast %arg0 : i32 to index
    %get3A_0 = memref.load %arg1[%get3A] : memref<15xi32, #tpu.memory_space<smem>>
    %c0_i32 = arith.constant 0 : i32
    %c0_i32_1 = arith.constant 0 : i32
    %c0_i32_2 = arith.constant 0 : i32
    return %get3A_0, %c0_i32, %c0_i32_1 : i32, i32, i32
  }
  func.func @transform_4(%arg0: i32, %arg1: memref<15xi32, #tpu.memory_space<smem>>, %arg2: memref<15x8xi32, #tpu.memory_space<smem>>) -> (i32, i32, i32) {
    %get3A = arith.index_cast %arg0 : i32 to index
    %get3A_0 = memref.load %arg1[%get3A] : memref<15xi32, #tpu.memory_space<smem>>
    %c0_i32 = arith.constant 0 : i32
    %c0_i32_1 = arith.constant 0 : i32
    %c0_i32_2 = arith.constant 0 : i32
    return %get3A_0, %c0_i32, %c0_i32_1 : i32, i32, i32
  }
  func.func @transform_5(%arg0: i32, %arg1: memref<15xi32, #tpu.memory_space<smem>>, %arg2: memref<15x8xi32, #tpu.memory_space<smem>>) -> (i32, i32) {
    %get3A = arith.index_cast %arg0 : i32 to index
    %get3A_0 = arith.constant 7 : index
    %get3A_1 = memref.load %arg2[%get3A, %get3A_0] : memref<15x8xi32, #tpu.memory_space<smem>>
    %c0_i32 = arith.constant 0 : i32
    %c0_i32_2 = arith.constant 0 : i32
    return %get3A_1, %c0_i32 : i32, i32
  }
}

</mosaic_0001>

<sc_bundles>
// kernel: kernel.6.cloned.1.call-start
scs
__scs_entry_jumppad:
0x0: {  	(pc) =	sbr.rel $0x88, $3  }
0x1: {  	(tag) =	ssettag $0x0;
	lr =	simm.s32 $0x1  }
0x2: {  	[smem:$0x3F9A] =	sst lr;
	_ =	strace $0xD0000000  }
0x3: {  	_ = 	snop  }
0x4: {  	_ = 	snop  }
0x5: {  	_ = 	snop  }
0x6: {  	_ = 	snop  }
0x7: {  	_ = 	snop  }
__scs_overlays_trampoline_lowered:
0x8: {  	[smem:$0x3FA9] =	sst s0  }
0x9: {  	[smem:$0x3FAA] =	sst s1  }
0xa: {  	[smem:$0x3FAB] =	sst s2  }
0xb: {  	[smem:$0x3FAC] =	sst s3  }
0xc: {  	[smem:$0x3FAD] =	sst s4  }
0xd: {  	[smem:$0x3FAE] =	sst s5  }
0xe: {  	[smem:$0x3FAF] =	sst s6  }
0xf: {  	[smem:$0x3FB0] =	sst s7  }
0x10: {  	[smem:$0x3FB1] =	sst s8  }
0x11: {  	[smem:$0x3FB2] =	sst s9;
	s0 =	simm.s32 @!p0 $0x0  }
0x12: {  	s1 =	sld [smem:$0x3F98];
	s0 =	simm.s32 @p0 $0x1  }
0x13: {  	[smem:$0x3FB3] =	sst s0;
	s0 =	simm.s32 @!p1 $0x0  }
0x14: {  	s2 =	sld [smem:$0x3F97];
	s0 =	simm.s32 @p1 $0x1  }
0x15: {  	[smem:$0x3FB4] =	sst s0;
	s0 =	simm.s32 @!p2 $0x0  }
0x16: {  	s3 =	sld [smem:$0x3FDB];
	s0 =	simm.s32 @p2 $0x1  }
0x17: {  	s4 =	simm.s32 $0x1BF5;
	[smem:$0x3FB6] =	sst s0  }
0x18: {  	s0 =	sld [smem:$0x3F99];
	_ =	swait.ge [sflag:s4], $0x0  }
0x19: {  	s7 =	sld [smem:$0x3F9A]  }
0x1a: {  	s8 =	sadd.s32 $0xFFFFE003, lr  }
0x1b: {  	s9 =	sadd.s32 $0xFFFFFEF7, lr;
	s5 =	simm.s32 $0xFFFFFFFF;
	p2 =	slt.u32 s8, $0xFFFFF086  }
0x1c: {  	p1 =	slt.u32 s9, $0xF7A;
	s5 =	simm.s32 @!p2 $0x0  }
0x1d: {  	s5 =	simm.s32 @p1 $0x1;
	p0 =	seq.s32 s7, s2  }
0x1e: {  	s7 =	smul.u32 @!p0 $0xF7A, s2;
	p2 =	seq.s32 @!p0 s5, $0x0  }
0x1f: {  	s9 =	smul.u32 $0xF7A, s1;
	s8 =	simm.s32 @!p0 $0x1BF5;
	p2 =	por !p2, p0  }
0x20: {  	[sflag:s8] =	ssyncset.s32 @!p0 $0xFFFFF086;
	s6 =	sadd.s32 @!p0 s3, s7;
	s7 =	simm.s32 @!p0 $0x108  }
0x21: {  	s3 =	sadd.s32 s3, s9;
	s6 =	sadd.s32 @!p0 $0x88, s6;
	s7 =	simm.s32 @p2 $0x1082  }
0x22: {  	[simem:s7], [sflag:s8] =	dma.local @!p0 [hbm:s6], $0xF7A  }
0x23: {  	s9 =	sor.u32 $0xD0000000, s2;
	s6 =	simm.s32 $0x108;
	_ =	swait.ge @!p0 [sflag:s8], $0x0  }
0x24: {  	s3 =	sadd.s32 $0x88, s3;
	s6 =	simm.s32 @!p1 $0x1082;
	[sflag:s4] =	ssyncset.s32 $0xFFFFF086  }
0x25: {  	[simem:s6], [sflag:s4] =	dma.local [hbm:s3], $0xF7A  }
0x26: {  	[smem:$0x3F9A] =	sst s1;
	(tag) =	ssettag s2;
	_ =	strace s9  }
0x27: {  	s1 =	sld [smem:$0x3FAA]  }
0x28: {  	s2 =	sld [smem:$0x3FAB]  }
0x29: {  	s4 =	sld [smem:$0x3FAD]  }
0x2a: {  	p0 =	seq.s32 s5, $0x0;
	s5 =	sld [smem:$0x3FAE]  }
0x2b: {  	s6 =	sld [smem:$0x3FAF]  }
0x2c: {  	s7 =	sld [smem:$0x3FB0]  }
0x2d: {  	s3 =	simm.s32 $0x108;
	s8 =	sld [smem:$0x3FB1]  }
0x2e: {  	s3 =	simm.s32 @!p0 $0x1082;
	s9 =	sld [smem:$0x3FB2]  }
0x2f: {  	lr =	sadd.s32 s0, s3;
	s0 =	sld [smem:$0x3FA9]  }
0x30: {  	s3 =	sld [smem:$0x3FAC]  }
0x31: {  	[smem:$0x3FB5] =	sst s10  }
0x32: {  	s10 =	sld [smem:$0x3FB3];
	_ =	sdelay $0x3  }
0x33: {  	p0 =	seq.s32 s10, $0x1;
	s10 =	sld [smem:$0x3FB5];
	_ =	sdelay $0x3  }
0x34: {  	[smem:$0x3FB5] =	sst s10  }
0x35: {  	s10 =	sld [smem:$0x3FB4];
	_ =	sdelay $0x3  }
0x36: {  	p1 =	seq.s32 s10, $0x1;
	s10 =	sld [smem:$0x3FB5];
	_ =	sdelay $0x3  }
0x37: {  	[smem:$0x3FB5] =	sst s10  }
0x38: {  	s10 =	sld [smem:$0x3FB6]  }
0x39: {  	_ = 	snop;
	(pc) =	sbr.ind lr, $3  }
0x3a: {  	_ = 	snop  }
0x3b: {  	_ = 	snop  }
0x3c: {  	p2 =	seq.s32 s10, $0x1;
	s10 =	sld [smem:$0x3FB5]  }
0x3d: {  	_ =	shalt  }
0x3e: {  	_ =	shalt  }
0x3f: {  	_ =	shalt  }
0x40: {  	_ =	shalt  }
0x41: {  	_ =	shalt  }
0x42: {  	_ =	shalt  }
0x43: {  	_ =	shalt  }
0x44: {  	_ =	shalt  }
0x45: {  	_ =	shalt  }
0x46: {  	_ =	shalt  }
0x47: {  	_ =	shalt  }
0x48: {  	_ =	shalt  }
0x49: {  	_ =	shalt  }
0x4a: {  	_ =	shalt  }
0x4b: {  	_ =	shalt  }
0x4c: {  	_ =	shalt  }
0x4d: {  	_ =	shalt  }
0x4e: {  	_ =	shalt  }
0x4f: {  	_ =	shalt  }
0x50: {  	_ =	shalt  }
0x51: {  	_ =	shalt  }
0x52: {  	_ =	shalt  }
0x53: {  	_ =	shalt  }
0x54: {  	_ =	shalt  }
0x55: {  	_ =	shalt  }
0x56: {  	_ =	shalt  }
0x57: {  	_ =	shalt  }
0x58: {  	_ =	shalt  }
0x59: {  	_ =	shalt  }
0x5a: {  	_ =	shalt  }
0x5b: {  	_ =	shalt  }
0x5c: {  	_ =	shalt  }
0x5d: {  	_ =	shalt  }
0x5e: {  	_ =	shalt  }
0x5f: {  	_ =	shalt  }
0x60: {  	_ =	shalt  }
0x61: {  	_ =	shalt  }
0x62: {  	_ =	shalt  }
0x63: {  	_ =	shalt  }
0x64: {  	_ =	shalt  }
0x65: {  	_ =	shalt  }
0x66: {  	_ =	shalt  }
0x67: {  	_ =	shalt  }
0x68: {  	_ =	shalt  }
0x69: {  	_ =	shalt  }
0x6a: {  	_ =	shalt  }
0x6b: {  	_ =	shalt  }
0x6c: {  	_ =	shalt  }
0x6d: {  	_ =	shalt  }
0x6e: {  	_ =	shalt  }
0x6f: {  	_ =	shalt  }
0x70: {  	_ =	shalt  }
0x71: {  	_ =	shalt  }
0x72: {  	_ =	shalt  }
0x73: {  	_ =	shalt  }
0x74: {  	_ =	shalt  }
0x75: {  	_ =	shalt  }
0x76: {  	_ =	shalt  }
0x77: {  	_ =	shalt  }
0x78: {  	_ =	shalt  }
0x79: {  	_ =	shalt  }
0x7a: {  	_ =	shalt  }
0x7b: {  	_ =	shalt  }
0x7c: {  	_ =	shalt  }
0x7d: {  	_ =	shalt  }
0x7e: {  	_ =	shalt  }
0x7f: {  	_ =	shalt  }
0x80: {  	_ =	shalt  }
0x81: {  	_ =	shalt  }
0x82: {  	_ =	shalt  }
0x83: {  	_ =	shalt  }
0x84: {  	_ =	shalt  }
0x85: {  	_ =	shalt  }
0x86: {  	_ =	shalt  }
0x87: {  	_ =	shalt  }
.Lfunc_end0:
.L_simem_size_0:
called_computation_lowered:
.L_overlay_start_0:
0x88: {  	s2 =	sld [smem:$0x3FD9]  }
0x89: {  	s3 =	sld [smem:$0x3FFE];
	_ =	sdelay $0x1  }
0x8a: {  	s1 =	srdreg.scid  }
0x8b: {  	s0 =	sand.u32 $0x1, s1  }
0x8c: {  	s17 =	sshll.u32 s0, $0xA;
	s2 =	sadd.s32 s3, s2  }
0x8d: {  	s2 =	sadd.s32 s2, s17  }
0x8e: {  	[smem:$0x3FC1] =	sst s2  }
0x8f: {  	_ = 	snop  }
0x90: {  	s2 =	sld [smem:$0x3FD0];
	(tm) =	ssettm $0x1  }
0x91: {  	s18 =	sld [smem:$0x3FFB];
	_ =	sdelay $0x3  }
0x92: {  	_ =	strace s18  }
0x93: {  	s3 =	sld [smem:$0x3FFC];
	_ =	sdelay $0x3  }
0x94: {  	_ =	strace s3  }
0x95: {  	s3 =	sld [smem:$0x3FFD];
	_ =	sdelay $0x3  }
0x96: {  	_ =	strace s3  }
0x97: {  	_ =	strace $0x8FFFFFFF  }
0x98: {  	s19 =	sld [smem:$0x3FDB];
	_ =	sdelay $0x1  }
0x99: {  	s4 =	simm.s32 $_scs_section_size  }
0x9a: {  	s5 =	simm.s32 $_size__tile_overlayer_lowered;
	s6 =	simm.s32 $_tile_overlayer_lowered  }
0x9b: {  	s22 =	simm.s32 $0x1BFF;
	s21 =	sshll.u32 s6, $0x1;
	s3 =	sadd.s32 s4, s19  }
0x9c: {  	s7 =	simm.s32 $0x0;
	s20 =	sshll.u32 s5, $0x1;
	s5 =	sadd.s32 s21, s3  }
0x9d: {  	[timem:s7], [sflag:s22] =	dma.local [hbm:s5], s20  }
0x9e: {  	_ =	swait.ge [sflag:s22], s20  }
0x9f: {  	s4 =	ssub.s32 $0x0, s20;
	[sflag:s22] =	ssyncset.done $0x0  }
0xa0: {  	[sflag:s22] =	ssyncadd.s32 s4;
	_ =	sdelay $0x1  }
0xa1: {  	s23 =	simm.s32 $0x1B8B  }
0xa2: {  	_ =	swait.ge [sflag:s23], $0x1  }
0xa3: {  	[sflag:s23] =	ssyncset.done $0x0  }
0xa4: {  	s25 =	simm.s32 $0x1B8E;
	s24 =	sld [smem:$0x3FFE];
	[sflag:s23] =	ssyncadd.s32 $0xFFFFFFFF  }
0xa5: {  	s26 =	simm.s32 $execute0_lowered;
	[smem:$0x3FD2] =	sst s25  }
0xa6: {  	s5 =	sshll.u32 s26, $0x1;
	_ =	strace $0x80000046;
	[dreg:$0x1] =	wrdreg $0xFFFFFFFF  }
0xa7: {  	s28 =	simm.s32 $_size_execute0_lowered;
	s3 =	sadd.s32 s3, s5;
	[dreg:$0x0] =	wrdreg $0x0  }
0xa8: {  	s5 =	sshll.u32 s28, $0x1;
	[dreg:$0x2] =	wrdreg s3  }
0xa9: {  	[dreg:$0x3] =	wrdreg s5  }
0xaa: {  	[dreg:$0x4] =	wrdreg $0xC0  }
0xab: {  	_ =	task [dreg:s7], $0x5FFFF  }
0xac: {  	[dreg:$0x1] =	wrdreg $0xFFFFFFFF  }
0xad: {  	[dreg:$0x0] =	wrdreg $0x60  }
0xae: {  	[dreg:$0x2] =	wrdreg s24  }
0xaf: {  	[dreg:$0x3] =	wrdreg s2  }
0xb0: {  	[dreg:$0x4] =	wrdreg $0x9  }
0xb1: {  	_ =	task.clear_ibuf [dreg:s7], $0x5FFFF;
	_ =	strace $0x90000046  }
0xb2: {  	s29 =	simm.s32 $0x9;
	_ =	strace $0x80000048  }
0xb3: {  	_ =	swait.ge [sflag:s29], $0x1  }
0xb4: {  	[sflag:s29] =	ssyncadd.s32 $0xFFFFFFFF  }
0xb5: {  	_ =	strace $0x90000048  }
0xb6: {  	_ =	sfence  }
0xb7: {  	s30 =	sld [smem:$0x0];
	_ =	sdelay $0x2  }
0xb8: {  	s31 =	sshll.u32 s1, $0xD;
	s1 =	sshrl.u32 s1, $0x2  }
0xb9: {  	s3 =	sand.u32 $0x4000, s31;
	s1 =	sadd.s32 s1, s30  }
0xba: {  	s0 =	sor.u32 s3, s0;
	s1 =	sshll.u32 s1, $0x11  }
0xbb: {  	s0 =	sor.u32 s1, s0  }
0xbc: {  	s0 =	sadd.s32 $0x8F2B, s0  }
0xbd: {  	[sflag:s0] =	ssyncadd.remote.s32 $0x1  }
0xbe: {  	_ =	sfence.sel $0xFFFF  }
0xbf: {  	[dreg:$0x0] =	wrdreg $0xFFFFFFFF;
	(pc) =	sbr.abs _section_cstart, $3  }
0xc0: {  	[dreg:$0x1] =	wrdreg $0xFFFFFFFF  }
0xc1: {  	_ =	task.clear_ibuf [dreg:s7], $0x2FFFF;
	_ =	strace $0x9FFFFFFF  }
0xc2: {  	(tm) =	ssettm $0x7FFFFFFF  }
0xc3: {  	_ =	shalt  }
tec
execute0_lowered:
.L_overlay_start_1:
0x0: {  	(tag) =	ssettag $0x1  }
0x1: {  	s1 =	srdreg.scid;
	s4 =	rddreg [dreg:$0x0]  }
0x2: {  	s0 =	stileid.u32;
	s2 =	rddreg [dreg:$0x1]  }
0x3: {  	s18 =	simm.s32 $0x880;
	s19 =	simm.s32 $0xC80;
	s20 =	simm.s32 $0x1480  }
0x4: {  	s21 =	simm.s32 $0x1880;
	s23 =	simm.s32 $0x2080;
	s24 =	simm.s32 $0x2480  }
0x5: {  	s25 =	simm.s32 $0x2C80;
	s26 =	simm.s32 $0x3080;
	s7 =	simm.s32 $0x80  }
0x6: {  	s9 =	simm.s32 $0x3C80;
	s10 =	simm.s32 $0x4480;
	s1 =	sand.u32 $0x1, s1  }
0x7: {  	s11 =	simm.s32 $0x4880;
	s3 =	sshll.u32 s0, $0x5;
	s5 =	sshll.u32 s1, $0x4  }
0x8: {  	s12 =	simm.s32 $0x5080;
	s5 =	sor.u32 s5, s3;
	s3 =	simm.s32 $0x0  }
0x9: {  	s13 =	simm.s32 $0x5480;
	s14 =	simm.s32 $0x5C80;
	[smem:$0x7FF] =	sst s3  }
0xa: {  	s15 =	simm.s32 $0x6080;
	_ =	strace $0x80000047;
	[dreg:$0x5] =	wrdreg s18  }
0xb: {  	s16 =	simm.s32 $0x6880;
	s17 =	simm.s32 $0x6C80;
	[dreg:$0x6] =	wrdreg s19  }
0xc: {  	s28 =	simm.s32 $0xA880;
	s29 =	simm.s32 $0xB080;
	[dreg:$0x7] =	wrdreg s20  }
0xd: {  	s30 =	simm.s32 $0xB480;
	s1 =	ssub.s32 $0x2, s1;
	[dreg:$0x8] =	wrdreg s21  }
0xe: {  	s31 =	simm.s32 $0xBC80;
	s22 =	sshrl.u32 s1, $0x1;
	[dreg:$0x9] =	wrdreg s23  }
0xf: {  	s6 =	smul.u32 $0x180, s5;
	s5 =	sadd.s32 s5, s4;
	[dreg:$0xa] =	wrdreg s24  }
0x10: {  	s1 =	ssub.s32 s1, s22;
	s22 =	simm.s32 $0x8C80;
	[dreg:$0xb] =	wrdreg s25  }
0x11: {  	s5 =	sadd.s32 $0x30C00, s5;
	[dreg:$0xc] =	wrdreg s26;
	s18 =	simm.s32 $0x7480  }
0x12: {  	s19 =	simm.s32 $0x7880;
	s20 =	simm.s32 $0x8080;
	s21 =	simm.s32 $0x8480  }
0x13: {  	s23 =	simm.s32 $0x9080;
	s24 =	simm.s32 $0x9880;
	s25 =	simm.s32 $0x9C80  }
0x14: {  	v2 =	vlaneseq.u32;
	s26 =	simm.s32 $0xA480;
	s4 =	sadd.s32 s6, s4;
	[dreg:$0x3] =	wrdreg s5  }
0x15: {  	vm0 =	vmmov $0xffff;
	vm1 =	vmmov $0xff;
	v1 =	vshrl.u32 v2, $0x3;
	s5 =	smax.u32 s1, $0x1;
	s6 =	simm.s32 $0x2;
	s4 =	sadd.s32 $0xC00, s4  }
0x16: {  	v0 =	vand.u32 $0x7, v2;
	v2 =	vor.u32 $0x8, v2;
	v1 =	vmul.u32 $0x8, v1;
	s1 =	simm.s32 $0x1;
	[dreg:$0x4] =	wrdreg s4;
	s4 =	sadd.s32 $0x100, s2  }
.LBB2_1:
0x17: {  	s0 =	rddreg [dreg:$0x3]  }
0x18: {  	[tilespmem:s3], [sflag:$0x2] =	stream.linear.gather [hbm4b:s0+s3], $0x80, $0x38;
	[tilespmem:$0xC080] =	vst v63  }
0x19: {  	_ =	swait.ge [sflag:s6], $0x80  }
0x1a: {  	[sflag:s6] =	ssyncset.done $0x0  }
0x1b: {  	s8 =	rddreg [dreg:$0x4];
	[sflag:s6] =	ssyncadd.s32 $0xFFFFFF80  }
0x1c: {  	[tilespmem:s7], [sflag:$0x2] =	stream.linear.gather [hbm4b:s8+s3], $0xC000, $0x38;
	[tilespmem:$0xC080] =	vst v63  }
0x1d: {  	_ =	swait.ge [sflag:s6], $0xC000  }
0x1e: {  	[sflag:s6] =	ssyncset.done $0x0  }
0x1f: {  	[sflag:s6] =	ssyncadd.s32 $0xFFFF4000  }
0x20: {  	v3 =	vld [tilespmem:$0x0];
	_ =	sdelay $0x4  }
0x21: {  	v4 =	vshrl.u32 v3, $0x3  }
0x22: {  	v4 =	vmul.u32 $0x18, v4  }
0x23: {  	v3 =	vand.u32 $0x7, v3  }
0x24: {  	v3 =	vor.u32 v3, v4  }
0x25: {  	v4 =	vperm.xlane v3, v0;
	_ =	sdelay $0x1  }
0x26: {  	v4 =	vadd.s32 v1, v4;
	_ =	sdelay $0x1  }
0x27: {  	v3 =	vperm.xlane v3, v2;
	_ =	sdelay $0x1  }
0x28: {  	v3 =	vadd.s32 v1, v3  }
0x29: {  	[hbm4b:s2+s3] =	stream.indirect_vreg.scatter [tilespmem:s7], [sflag:$0x1], $0x80, v4, vm0, $0xb8;
	[tilespmem:$0xC080] =	vst v63  }
0x2a: {  	s0 =	rddreg [dreg:$0x5]  }
0x2b: {  	[hbm4b:s4+s3] =	stream.indirect_vreg.scatter [tilespmem:s0], [sflag:$0x1], $0x80, v4, vm1, $0xb8;
	[tilespmem:$0xC080] =	vst v63  }
0x2c: {  	s8 =	rddreg [dreg:$0x6]  }
0x2d: {  	[hbm4b:s2+s3] =	stream.indirect_vreg.scatter [tilespmem:s8], [sflag:$0x1], $0x80, v3, vm0, $0xb8;
	[tilespmem:$0xC080] =	vst v63  }
0x2e: {  	s0 =	rddreg [dreg:$0x7]  }
0x2f: {  	[hbm4b:s4+s3] =	stream.indirect_vreg.scatter [tilespmem:s0], [sflag:$0x1], $0x80, v3, vm1, $0xb8;
	[tilespmem:$0xC080] =	vst v63  }
0x30: {  	v3 =	vld [tilespmem:$0x10];
	_ =	sdelay $0x4  }
0x31: {  	v57 =	vshrl.u32 v3, $0x3  }
0x32: {  	v4 =	vmul.u32 $0x18, v57  }
0x33: {  	v3 =	vand.u32 $0x7, v3  }
0x34: {  	v3 =	vor.u32 v3, v4  }
0x35: {  	v4 =	vperm.xlane v3, v0;
	_ =	sdelay $0x1  }
0x36: {  	v4 =	vadd.s32 v1, v4;
	_ =	sdelay $0x1  }
0x37: {  	v3 =	vperm.xlane v3, v2;
	_ =	sdelay $0x1  }
0x38: {  	s0 =	rddreg [dreg:$0x8];
	v3 =	vadd.s32 v1, v3  }
0x39: {  	[hbm4b:s2+s3] =	stream.indirect_vreg.scatter [tilespmem:s0], [sflag:$0x1], $0x80, v4, vm0, $0xb8;
	[tilespmem:$0xC080] =	vst v63  }
0x3a: {  	s8 =	rddreg [dreg:$0x9]  }
0x3b: {  	[hbm4b:s4+s3] =	stream.indirect_vreg.scatter [tilespmem:s8], [sflag:$0x1], $0x80, v4, vm1, $0xb8;
	[tilespmem:$0xC080] =	vst v63  }
0x3c: {  	s0 =	rddreg [dreg:$0xa]  }
0x3d: {  	[hbm4b:s2+s3] =	stream.indirect_vreg.scatter [tilespmem:s0], [sflag:$0x1], $0x80, v3, vm0, $0xb8;
	[tilespmem:$0xC080] =	vst v63  }
0x3e: {  	s8 =	rddreg [dreg:$0xb]  }
0x3f: {  	[hbm4b:s4+s3] =	stream.indirect_vreg.scatter [tilespmem:s8], [sflag:$0x1], $0x80, v3, vm1, $0xb8;
	[tilespmem:$0xC080] =	vst v63  }
0x40: {  	v3 =	vld [tilespmem:$0x20];
	_ =	sdelay $0x4  }
0x41: {  	v58 =	vshrl.u32 v3, $0x3  }
0x42: {  	v4 =	vmul.u32 $0x18, v58  }
0x43: {  	v3 =	vand.u32 $0x7, v3  }
0x44: {  	v3 =	vor.u32 v3, v4  }
0x45: {  	v4 =	vperm.xlane v3, v0;
	_ =	sdelay $0x1  }
0x46: {  	v4 =	vadd.s32 v1, v4;
	_ =	sdelay $0x1  }
0x47: {  	v3 =	vperm.xlane v3, v2;
	_ =	sdelay $0x1  }
0x48: {  	s8 =	rddreg [dreg:$0xc];
	v3 =	vadd.s32 v1, v3  }
0x49: {  	[hbm4b:s2+s3] =	stream.indirect_vreg.scatter [tilespmem:s8], [sflag:$0x1], $0x80, v4, vm0, $0xb8;
	[tilespmem:$0xC080] =	vst v63  }
0x4a: {  	s8 =	simm.s32 $0x3880  }
0x4b: {  	[hbm4b:s4+s3] =	stream.indirect_vreg.scatter [tilespmem:s8], [sflag:$0x1], $0x80, v4, vm1, $0xb8;
	[tilespmem:$0xC080] =	vst v63  }
0x4c: {  	_ = 	snop  }
0x4d: {  	[hbm4b:s2+s3] =	stream.indirect_vreg.scatter [tilespmem:s9], [sflag:$0x1], $0x80, v3, vm0, $0xb8;
	[tilespmem:$0xC080] =	vst v63  }
0x4e: {  	_ = 	snop  }
0x4f: {  	[hbm4b:s4+s3] =	stream.indirect_vreg.scatter [tilespmem:s10], [sflag:$0x1], $0x80, v3, vm1, $0xb8;
	[tilespmem:$0xC080] =	vst v63  }
0x50: {  	v3 =	vld [tilespmem:$0x30];
	_ =	sdelay $0x4  }
0x51: {  	v59 =	vshrl.u32 v3, $0x3  }
0x52: {  	v4 =	vmul.u32 $0x18, v59  }
0x53: {  	v3 =	vand.u32 $0x7, v3  }
0x54: {  	v3 =	vor.u32 v3, v4  }
0x55: {  	v4 =	vperm.xlane v3, v0;
	_ =	sdelay $0x1  }
0x56: {  	v4 =	vadd.s32 v1, v4;
	_ =	sdelay $0x1  }
0x57: {  	v3 =	vperm.xlane v3, v2;
	_ =	sdelay $0x1  }
0x58: {  	v3 =	vadd.s32 v1, v3  }
0x59: {  	[hbm4b:s2+s3] =	stream.indirect_vreg.scatter [tilespmem:s11], [sflag:$0x1], $0x80, v4, vm0, $0xb8;
	[tilespmem:$0xC080] =	vst v63  }
0x5a: {  	_ = 	snop  }
0x5b: {  	[hbm4b:s4+s3] =	stream.indirect_vreg.scatter [tilespmem:s12], [sflag:$0x1], $0x80, v4, vm1, $0xb8;
	[tilespmem:$0xC080] =	vst v63  }
0x5c: {  	_ = 	snop  }
0x5d: {  	[hbm4b:s2+s3] =	stream.indirect_vreg.scatter [tilespmem:s13], [sflag:$0x1], $0x80, v3, vm0, $0xb8;
	[tilespmem:$0xC080] =	vst v63  }
0x5e: {  	_ = 	snop  }
0x5f: {  	[hbm4b:s4+s3] =	stream.indirect_vreg.scatter [tilespmem:s14], [sflag:$0x1], $0x80, v3, vm1, $0xb8;
	[tilespmem:$0xC080] =	vst v63  }
0x60: {  	v3 =	vld [tilespmem:$0x40];
	_ =	sdelay $0x4  }
0x61: {  	v60 =	vshrl.u32 v3, $0x3  }
0x62: {  	v4 =	vmul.u32 $0x18, v60  }
0x63: {  	v3 =	vand.u32 $0x7, v3  }
0x64: {  	v3 =	vor.u32 v3, v4  }
0x65: {  	v4 =	vperm.xlane v3, v0;
	_ =	sdelay $0x1  }
0x66: {  	v4 =	vadd.s32 v1, v4;
	_ =	sdelay $0x1  }
0x67: {  	v3 =	vperm.xlane v3, v2;
	_ =	sdelay $0x1  }
0x68: {  	v3 =	vadd.s32 v1, v3  }
0x69: {  	[hbm4b:s2+s3] =	stream.indirect_vreg.scatter [tilespmem:s15], [sflag:$0x1], $0x80, v4, vm0, $0xb8;
	[tilespmem:$0xC080] =	vst v63  }
0x6a: {  	_ = 	snop  }
0x6b: {  	[hbm4b:s4+s3] =	stream.indirect_vreg.scatter [tilespmem:s16], [sflag:$0x1], $0x80, v4, vm1, $0xb8;
	[tilespmem:$0xC080] =	vst v63  }
0x6c: {  	_ = 	snop  }
0x6d: {  	[hbm4b:s2+s3] =	stream.indirect_vreg.scatter [tilespmem:s17], [sflag:$0x1], $0x80, v3, vm0, $0xb8;
	[tilespmem:$0xC080] =	vst v63  }
0x6e: {  	_ = 	snop  }
0x6f: {  	[hbm4b:s4+s3] =	stream.indirect_vreg.scatter [tilespmem:s18], [sflag:$0x1], $0x80, v3, vm1, $0xb8;
	[tilespmem:$0xC080] =	vst v63  }
0x70: {  	v3 =	vld [tilespmem:$0x50];
	_ =	sdelay $0x4  }
0x71: {  	v61 =	vshrl.u32 v3, $0x3  }
0x72: {  	v4 =	vmul.u32 $0x18, v61  }
0x73: {  	v3 =	vand.u32 $0x7, v3  }
0x74: {  	v3 =	vor.u32 v3, v4  }
0x75: {  	v4 =	vperm.xlane v3, v0;
	_ =	sdelay $0x1  }
0x76: {  	v4 =	vadd.s32 v1, v4;
	_ =	sdelay $0x1  }
0x77: {  	v3 =	vperm.xlane v3, v2;
	_ =	sdelay $0x1  }
0x78: {  	v3 =	vadd.s32 v1, v3  }
0x79: {  	[hbm4b:s2+s3] =	stream.indirect_vreg.scatter [tilespmem:s19], [sflag:$0x1], $0x80, v4, vm0, $0xb8;
	[tilespmem:$0xC080] =	vst v63  }
0x7a: {  	_ = 	snop  }
0x7b: {  	[hbm4b:s4+s3] =	stream.indirect_vreg.scatter [tilespmem:s20], [sflag:$0x1], $0x80, v4, vm1, $0xb8;
	[tilespmem:$0xC080] =	vst v63  }
0x7c: {  	_ = 	snop  }
0x7d: {  	[hbm4b:s2+s3] =	stream.indirect_vreg.scatter [tilespmem:s21], [sflag:$0x1], $0x80, v3, vm0, $0xb8;
	[tilespmem:$0xC080] =	vst v63  }
0x7e: {  	_ = 	snop  }
0x7f: {  	[hbm4b:s4+s3] =	stream.indirect_vreg.scatter [tilespmem:s22], [sflag:$0x1], $0x80, v3, vm1, $0xb8;
	[tilespmem:$0xC080] =	vst v63  }
0x80: {  	v3 =	vld [tilespmem:$0x60];
	_ =	sdelay $0x4  }
0x81: {  	v62 =	vshrl.u32 v3, $0x3  }
0x82: {  	v4 =	vmul.u32 $0x18, v62  }
0x83: {  	v3 =	vand.u32 $0x7, v3  }
0x84: {  	v3 =	vor.u32 v3, v4  }
0x85: {  	v4 =	vperm.xlane v3, v0;
	_ =	sdelay $0x1  }
0x86: {  	v4 =	vadd.s32 v1, v4;
	_ =	sdelay $0x1  }
0x87: {  	v3 =	vperm.xlane v3, v2;
	_ =	sdelay $0x1  }
0x88: {  	v3 =	vadd.s32 v1, v3  }
0x89: {  	[hbm4b:s2+s3] =	stream.indirect_vreg.scatter [tilespmem:s23], [sflag:$0x1], $0x80, v4, vm0, $0xb8;
	[tilespmem:$0xC080] =	vst v63  }
0x8a: {  	_ = 	snop  }
0x8b: {  	[hbm4b:s4+s3] =	stream.indirect_vreg.scatter [tilespmem:s24], [sflag:$0x1], $0x80, v4, vm1, $0xb8;
	[tilespmem:$0xC080] =	vst v63  }
0x8c: {  	_ = 	snop  }
0x8d: {  	[hbm4b:s2+s3] =	stream.indirect_vreg.scatter [tilespmem:s25], [sflag:$0x1], $0x80, v3, vm0, $0xb8;
	[tilespmem:$0xC080] =	vst v63  }
0x8e: {  	_ = 	snop  }
0x8f: {  	[hbm4b:s4+s3] =	stream.indirect_vreg.scatter [tilespmem:s26], [sflag:$0x1], $0x80, v3, vm1, $0xb8;
	[tilespmem:$0xC080] =	vst v63  }
0x90: {  	v3 =	vld [tilespmem:$0x70];
	_ =	sdelay $0x4  }
0x91: {  	v63 =	vshrl.u32 v3, $0x3  }
0x92: {  	v4 =	vmul.u32 $0x18, v63  }
0x93: {  	v3 =	vand.u32 $0x7, v3  }
0x94: {  	v3 =	vor.u32 v3, v4  }
0x95: {  	v4 =	vperm.xlane v3, v0;
	_ =	sdelay $0x1  }
0x96: {  	v4 =	vadd.s32 v1, v4;
	_ =	sdelay $0x1  }
0x97: {  	v3 =	vperm.xlane v3, v2;
	_ =	sdelay $0x1  }
0x98: {  	v3 =	vadd.s32 v1, v3  }
0x99: {  	[hbm4b:s2+s3] =	stream.indirect_vreg.scatter [tilespmem:s28], [sflag:$0x1], $0x80, v4, vm0, $0xb8;
	[tilespmem:$0xC080] =	vst v63  }
0x9a: {  	_ = 	snop  }
0x9b: {  	[hbm4b:s4+s3] =	stream.indirect_vreg.scatter [tilespmem:s29], [sflag:$0x1], $0x80, v4, vm1, $0xb8;
	[tilespmem:$0xC080] =	vst v63  }
0x9c: {  	p0 =	sne.s32 s5, $0x1  }
0x9d: {  	[hbm4b:s2+s3] =	stream.indirect_vreg.scatter [tilespmem:s30], [sflag:$0x1], $0x80, v3, vm0, $0xb8;
	[tilespmem:$0xC080] =	vst v63  }
.Ltmp0:
0x9e: {  	_ = 	snop;
	(pc) =	sbr.rel @p0 .LBB2_1-.Ltmp0, $4  }
0x9f: {  	[hbm4b:s4+s3] =	stream.indirect_vreg.scatter [tilespmem:s31], [sflag:$0x1], $0x80, v3, vm1, $0xb8;
	[tilespmem:$0xC080] =	vst v63  }
0xa0: {  	_ =	swait.ge [sflag:s1], $0xC000  }
0xa1: {  	[sflag:s1] =	ssyncset.done $0x0  }
0xa2: {  	s5 =	sadd.s32 $0xFFFFFFFF, s5;
	[sflag:s1] =	ssyncadd.s32 $0xFFFF4000  }
0xa3: {  	_ =	sfence.sel $0x180000  }
0xa4: {  	[bflag:$0x0] =	sbarrier.arrive $0xFFFF  }
0xa5: {  	_ =	strace $0x90000047  }
0xa6: {  	s0 =	stileid.u32;
	[bflag:$0x2] =	sbarrier.arrive $0xFFFF  }
0xa7: {  	p0 =	sne.s32 s0, $0x0;
	s0 =	rddreg [dreg:$0x2]  }
0xa8: {  	s0 =	sadd.s32 @!p0 $0x100000, s0  }
0xa9: {  	[sflag:s0] =	ssyncadd.tile.s32 @!p0 $0x1;
	_ =	shalt  }
.Lfunc_end2:
_tile_overlayer_lowered:
.L_overlay_start_2:
0xaa: {  	(tag) =	ssettag $0x2  }
0xab: {  	s0 =	rddreg [dreg:$0x0];
	s2 =	stileid.u32  }
0xac: {  	s1 =	rddreg [dreg:$0x1];
	p0 =	sne.s32 s2, $0x0  }
0xad: {  	s3 =	rddreg [dreg:$0x2];
	[bflag:$0x3] =	sbarrier.arrive $0xFFFF;
	s2 =	simm.s32 @!p0 $0x1C02  }
0xae: {  	[timem:s3], [sflag:s2] =	dma.local @!p0 [hbm:s0], s1  }
0xaf: {  	s0 =	simm.s32 @!p0 $0x2  }
0xb0: {  	_ =	swait.ge @!p0 [sflag:s0], s1  }
0xb1: {  	s1 =	ssub.s32 @!p0 $0x0, s1;
	[sflag:s0] =	ssyncset.done @!p0 $0x0  }
0xb2: {  	[sflag:s0] =	ssyncadd.s32 @!p0 s1  }
0xb3: {  	[bflag:$0x3] =	sbarrier.arrive $0xFFFF  }
0xb4: {  	_ =	shalt  }

// kernel: kernel.9.cloned.1.call-start
scs
__scs_entry_jumppad:
0x0: {  	(pc) =	sbr.rel $0x88, $3  }
0x1: {  	(tag) =	ssettag $0x0;
	lr =	simm.s32 $0x1  }
0x2: {  	[smem:$0x3F9A] =	sst lr;
	_ =	strace $0xD0000000  }
0x3: {  	_ = 	snop  }
0x4: {  	_ = 	snop  }
0x5: {  	_ = 	snop  }
0x6: {  	_ = 	snop  }
0x7: {  	_ = 	snop  }
__scs_overlays_trampoline_lowered:
0x8: {  	[smem:$0x3FA9] =	sst s0  }
0x9: {  	[smem:$0x3FAA] =	sst s1  }
0xa: {  	[smem:$0x3FAB] =	sst s2  }
0xb: {  	[smem:$0x3FAC] =	sst s3  }
0xc: {  	[smem:$0x3FAD] =	sst s4  }
0xd: {  	[smem:$0x3FAE] =	sst s5  }
0xe: {  	[smem:$0x3FAF] =	sst s6  }
0xf: {  	[smem:$0x3FB0] =	sst s7  }
0x10: {  	[smem:$0x3FB1] =	sst s8  }
0x11: {  	[smem:$0x3FB2] =	sst s9;
	s0 =	simm.s32 @!p0 $0x0  }
0x12: {  	s1 =	sld [smem:$0x3F98];
	s0 =	simm.s32 @p0 $0x1  }
0x13: {  	[smem:$0x3FB3] =	sst s0;
	s0 =	simm.s32 @!p1 $0x0  }
0x14: {  	s2 =	sld [smem:$0x3F97];
	s0 =	simm.s32 @p1 $0x1  }
0x15: {  	[smem:$0x3FB4] =	sst s0;
	s0 =	simm.s32 @!p2 $0x0  }
0x16: {  	s3 =	sld [smem:$0x3FDB];
	s0 =	simm.s32 @p2 $0x1  }
0x17: {  	s4 =	simm.s32 $0x1BF5;
	[smem:$0x3FB6] =	sst s0  }
0x18: {  	s0 =	sld [smem:$0x3F99];
	_ =	swait.ge [sflag:s4], $0x0  }
0x19: {  	s7 =	sld [smem:$0x3F9A]  }
0x1a: {  	s8 =	sadd.s32 $0xFFFFE003, lr  }
0x1b: {  	s9 =	sadd.s32 $0xFFFFFEF7, lr;
	s5 =	simm.s32 $0xFFFFFFFF;
	p2 =	slt.u32 s8, $0xFFFFF086  }
0x1c: {  	p1 =	slt.u32 s9, $0xF7A;
	s5 =	simm.s32 @!p2 $0x0  }
0x1d: {  	s5 =	simm.s32 @p1 $0x1;
	p0 =	seq.s32 s7, s2  }
0x1e: {  	s7 =	smul.u32 @!p0 $0xF7A, s2;
	p2 =	seq.s32 @!p0 s5, $0x0  }
0x1f: {  	s9 =	smul.u32 $0xF7A, s1;
	s8 =	simm.s32 @!p0 $0x1BF5;
	p2 =	por !p2, p0  }
0x20: {  	[sflag:s8] =	ssyncset.s32 @!p0 $0xFFFFF086;
	s6 =	sadd.s32 @!p0 s3, s7;
	s7 =	simm.s32 @!p0 $0x108  }
0x21: {  	s3 =	sadd.s32 s3, s9;
	s6 =	sadd.s32 @!p0 $0x88, s6;
	s7 =	simm.s32 @p2 $0x1082  }
0x22: {  	[simem:s7], [sflag:s8] =	dma.local @!p0 [hbm:s6], $0xF7A  }
0x23: {  	s9 =	sor.u32 $0xD0000000, s2;
	s6 =	simm.s32 $0x108;
	_ =	swait.ge @!p0 [sflag:s8], $0x0  }
0x24: {  	s3 =	sadd.s32 $0x88, s3;
	s6 =	simm.s32 @!p1 $0x1082;
	[sflag:s4] =	ssyncset.s32 $0xFFFFF086  }
0x25: {  	[simem:s6], [sflag:s4] =	dma.local [hbm:s3], $0xF7A  }
0x26: {  	[smem:$0x3F9A] =	sst s1;
	(tag) =	ssettag s2;
	_ =	strace s9  }
0x27: {  	s1 =	sld [smem:$0x3FAA]  }
0x28: {  	s2 =	sld [smem:$0x3FAB]  }
0x29: {  	s4 =	sld [smem:$0x3FAD]  }
0x2a: {  	p0 =	seq.s32 s5, $0x0;
	s5 =	sld [smem:$0x3FAE]  }
0x2b: {  	s6 =	sld [smem:$0x3FAF]  }
0x2c: {  	s7 =	sld [smem:$0x3FB0]  }
0x2d: {  	s3 =	simm.s32 $0x108;
	s8 =	sld [smem:$0x3FB1]  }
0x2e: {  	s3 =	simm.s32 @!p0 $0x1082;
	s9 =	sld [smem:$0x3FB2]  }
0x2f: {  	lr =	sadd.s32 s0, s3;
	s0 =	sld [smem:$0x3FA9]  }
0x30: {  	s3 =	sld [smem:$0x3FAC]  }
0x31: {  	[smem:$0x3FB5] =	sst s10  }
0x32: {  	s10 =	sld [smem:$0x3FB3];
	_ =	sdelay $0x3  }
0x33: {  	p0 =	seq.s32 s10, $0x1;
	s10 =	sld [smem:$0x3FB5];
	_ =	sdelay $0x3  }
0x34: {  	[smem:$0x3FB5] =	sst s10  }
0x35: {  	s10 =	sld [smem:$0x3FB4];
	_ =	sdelay $0x3  }
0x36: {  	p1 =	seq.s32 s10, $0x1;
	s10 =	sld [smem:$0x3FB5];
	_ =	sdelay $0x3  }
0x37: {  	[smem:$0x3FB5] =	sst s10  }
0x38: {  	s10 =	sld [smem:$0x3FB6]  }
0x39: {  	_ = 	snop;
	(pc) =	sbr.ind lr, $3  }
0x3a: {  	_ = 	snop  }
0x3b: {  	_ = 	snop  }
0x3c: {  	p2 =	seq.s32 s10, $0x1;
	s10 =	sld [smem:$0x3FB5]  }
0x3d: {  	_ =	shalt  }
0x3e: {  	_ =	shalt  }
0x3f: {  	_ =	shalt  }
0x40: {  	_ =	shalt  }
0x41: {  	_ =	shalt  }
0x42: {  	_ =	shalt  }
0x43: {  	_ =	shalt  }
0x44: {  	_ =	shalt  }
0x45: {  	_ =	shalt  }
0x46: {  	_ =	shalt  }
0x47: {  	_ =	shalt  }
0x48: {  	_ =	shalt  }
0x49: {  	_ =	shalt  }
0x4a: {  	_ =	shalt  }
0x4b: {  	_ =	shalt  }
0x4c: {  	_ =	shalt  }
0x4d: {  	_ =	shalt  }
0x4e: {  	_ =	shalt  }
0x4f: {  	_ =	shalt  }
0x50: {  	_ =	shalt  }
0x51: {  	_ =	shalt  }
0x52: {  	_ =	shalt  }
0x53: {  	_ =	shalt  }
0x54: {  	_ =	shalt  }
0x55: {  	_ =	shalt  }
0x56: {  	_ =	shalt  }
0x57: {  	_ =	shalt  }
0x58: {  	_ =	shalt  }
0x59: {  	_ =	shalt  }
0x5a: {  	_ =	shalt  }
0x5b: {  	_ =	shalt  }
0x5c: {  	_ =	shalt  }
0x5d: {  	_ =	shalt  }
0x5e: {  	_ =	shalt  }
0x5f: {  	_ =	shalt  }
0x60: {  	_ =	shalt  }
0x61: {  	_ =	shalt  }
0x62: {  	_ =	shalt  }
0x63: {  	_ =	shalt  }
0x64: {  	_ =	shalt  }
0x65: {  	_ =	shalt  }
0x66: {  	_ =	shalt  }
0x67: {  	_ =	shalt  }
0x68: {  	_ =	shalt  }
0x69: {  	_ =	shalt  }
0x6a: {  	_ =	shalt  }
0x6b: {  	_ =	shalt  }
0x6c: {  	_ =	shalt  }
0x6d: {  	_ =	shalt  }
0x6e: {  	_ =	shalt  }
0x6f: {  	_ =	shalt  }
0x70: {  	_ =	shalt  }
0x71: {  	_ =	shalt  }
0x72: {  	_ =	shalt  }
0x73: {  	_ =	shalt  }
0x74: {  	_ =	shalt  }
0x75: {  	_ =	shalt  }
0x76: {  	_ =	shalt  }
0x77: {  	_ =	shalt  }
0x78: {  	_ =	shalt  }
0x79: {  	_ =	shalt  }
0x7a: {  	_ =	shalt  }
0x7b: {  	_ =	shalt  }
0x7c: {  	_ =	shalt  }
0x7d: {  	_ =	shalt  }
0x7e: {  	_ =	shalt  }
0x7f: {  	_ =	shalt  }
0x80: {  	_ =	shalt  }
0x81: {  	_ =	shalt  }
0x82: {  	_ =	shalt  }
0x83: {  	_ =	shalt  }
0x84: {  	_ =	shalt  }
0x85: {  	_ =	shalt  }
0x86: {  	_ =	shalt  }
0x87: {  	_ =	shalt  }
.Lfunc_end0:
.L_simem_size_0:
called_computation.1_lowered:
.L_overlay_start_0:
0x88: {  	s2 =	sld [smem:$0x3FD9]  }
0x89: {  	s3 =	sld [smem:$0x3FFE];
	_ =	sdelay $0x1  }
0x8a: {  	s1 =	srdreg.scid  }
0x8b: {  	s0 =	sand.u32 $0x1, s1  }
0x8c: {  	s17 =	sshll.u32 s0, $0xA;
	s2 =	sadd.s32 s3, s2  }
0x8d: {  	s2 =	sadd.s32 s2, s17  }
0x8e: {  	[smem:$0x3FC1] =	sst s2  }
0x8f: {  	_ = 	snop  }
0x90: {  	s2 =	sld [smem:$0x3FD0];
	(tm) =	ssettm $0x1  }
0x91: {  	s18 =	sld [smem:$0x3FFB];
	_ =	sdelay $0x3  }
0x92: {  	_ =	strace s18  }
0x93: {  	s3 =	sld [smem:$0x3FFC];
	_ =	sdelay $0x3  }
0x94: {  	_ =	strace s3  }
0x95: {  	s3 =	sld [smem:$0x3FFD];
	_ =	sdelay $0x3  }
0x96: {  	_ =	strace s3  }
0x97: {  	_ =	strace $0x8FFFFFFF  }
0x98: {  	s19 =	sld [smem:$0x3FDB];
	_ =	sdelay $0x1  }
0x99: {  	s4 =	simm.s32 $_scs_section_size  }
0x9a: {  	s5 =	simm.s32 $_size__tile_overlayer_lowered;
	s6 =	simm.s32 $_tile_overlayer_lowered  }
0x9b: {  	s22 =	simm.s32 $0x1BFF;
	s21 =	sshll.u32 s6, $0x1;
	s3 =	sadd.s32 s4, s19  }
0x9c: {  	s7 =	simm.s32 $0x0;
	s20 =	sshll.u32 s5, $0x1;
	s5 =	sadd.s32 s21, s3  }
0x9d: {  	[timem:s7], [sflag:s22] =	dma.local [hbm:s5], s20  }
0x9e: {  	_ =	swait.ge [sflag:s22], s20  }
0x9f: {  	s4 =	ssub.s32 $0x0, s20;
	[sflag:s22] =	ssyncset.done $0x0  }
0xa0: {  	[sflag:s22] =	ssyncadd.s32 s4;
	_ =	sdelay $0x1  }
0xa1: {  	s23 =	simm.s32 $0x1B8B  }
0xa2: {  	_ =	swait.ge [sflag:s23], $0x1  }
0xa3: {  	[sflag:s23] =	ssyncset.done $0x0  }
0xa4: {  	s25 =	simm.s32 $0x1B8E;
	s24 =	sld [smem:$0x3FFE];
	[sflag:s23] =	ssyncadd.s32 $0xFFFFFFFF  }
0xa5: {  	s26 =	simm.s32 $execute0_lowered;
	[smem:$0x3FD2] =	sst s25  }
0xa6: {  	s5 =	sshll.u32 s26, $0x1;
	_ =	strace $0x80000049;
	[dreg:$0x1] =	wrdreg $0xFFFFFFFF  }
0xa7: {  	s28 =	simm.s32 $_size_execute0_lowered;
	s3 =	sadd.s32 s3, s5;
	[dreg:$0x0] =	wrdreg $0x0  }
0xa8: {  	s5 =	sshll.u32 s28, $0x1;
	[dreg:$0x2] =	wrdreg s3  }
0xa9: {  	[dreg:$0x3] =	wrdreg s5  }
0xaa: {  	[dreg:$0x4] =	wrdreg $0xC0  }
0xab: {  	_ =	task [dreg:s7], $0x5FFFF  }
0xac: {  	[dreg:$0x1] =	wrdreg $0xFFFFFFFF  }
0xad: {  	[dreg:$0x0] =	wrdreg $0x60  }
0xae: {  	[dreg:$0x2] =	wrdreg s24  }
0xaf: {  	[dreg:$0x3] =	wrdreg s2  }
0xb0: {  	[dreg:$0x4] =	wrdreg $0x9  }
0xb1: {  	_ =	task.clear_ibuf [dreg:s7], $0x5FFFF;
	_ =	strace $0x90000049  }
0xb2: {  	s29 =	simm.s32 $0x9;
	_ =	strace $0x8000004B  }
0xb3: {  	_ =	swait.ge [sflag:s29], $0x1  }
0xb4: {  	[sflag:s29] =	ssyncadd.s32 $0xFFFFFFFF  }
0xb5: {  	_ =	strace $0x9000004B  }
0xb6: {  	_ =	sfence  }
0xb7: {  	s30 =	sld [smem:$0x0];
	_ =	sdelay $0x2  }
0xb8: {  	s31 =	sshll.u32 s1, $0xD;
	s1 =	sshrl.u32 s1, $0x2  }
0xb9: {  	s3 =	sand.u32 $0x4000, s31;
	s1 =	sadd.s32 s1, s30  }
0xba: {  	s0 =	sor.u32 s3, s0;
	s1 =	sshll.u32 s1, $0x11  }
0xbb: {  	s0 =	sor.u32 s1, s0  }
0xbc: {  	s0 =	sadd.s32 $0x8F2B, s0  }
0xbd: {  	[sflag:s0] =	ssyncadd.remote.s32 $0x1  }
0xbe: {  	_ =	sfence.sel $0xFFFF  }
0xbf: {  	[dreg:$0x0] =	wrdreg $0xFFFFFFFF;
	(pc) =	sbr.abs _section_cstart, $3  }
0xc0: {  	[dreg:$0x1] =	wrdreg $0xFFFFFFFF  }
0xc1: {  	_ =	task.clear_ibuf [dreg:s7], $0x2FFFF;
	_ =	strace $0x9FFFFFFF  }
0xc2: {  	(tm) =	ssettm $0x7FFFFFFF  }
0xc3: {  	_ =	shalt  }
tec
execute0_lowered:
.L_overlay_start_1:
0x0: {  	(tag) =	ssettag $0x1  }
0x1: {  	s2 =	srdreg.scid;
	s1 =	rddreg [dreg:$0x0]  }
0x2: {  	s3 =	rddreg [dreg:$0x1];
	s4 =	sand.u32 $0x1, s2;
	s2 =	simm.s32 $0x0  }
0x3: {  	s0 =	stileid.u32;
	s25 =	simm.s32 $0x880;
	[smem:$0x7FF] =	sst s2  }
0x4: {  	s26 =	simm.s32 $0x1080;
	_ =	strace $0x8000004A;
	[dreg:$0x5] =	wrdreg s25  }
0x5: {  	s5 =	sshll.u32 s0, $0x5;
	s0 =	simm.s32 $0x1880;
	[dreg:$0x6] =	wrdreg s26  }
0x6: {  	s7 =	simm.s32 $0x3080;
	[dreg:$0x7] =	wrdreg s0  }
0x7: {  	s8 =	simm.s32 $0x3880;
	[dreg:$0xa] =	wrdreg s7  }
0x8: {  	s9 =	simm.s32 $0x4080;
	[dreg:$0xb] =	wrdreg s8  }
0x9: {  	s10 =	simm.s32 $0x4880;
	[dreg:$0xc] =	wrdreg s9  }
0xa: {  	s11 =	simm.s32 $0x5080;
	[dreg:$0xd] =	wrdreg s10  }
0xb: {  	s12 =	simm.s32 $0x5880;
	[dreg:$0xe] =	wrdreg s11  }
0xc: {  	s13 =	simm.s32 $0x6080;
	[dreg:$0xf] =	wrdreg s12  }
0xd: {  	s14 =	simm.s32 $0x6880;
	[dreg:$0x10] =	wrdreg s13  }
0xe: {  	s15 =	simm.s32 $0x7080;
	[dreg:$0x11] =	wrdreg s14  }
0xf: {  	s16 =	simm.s32 $0x7880;
	s17 =	simm.s32 $0x8080;
	[dreg:$0x12] =	wrdreg s15  }
0x10: {  	s18 =	simm.s32 $0x8880;
	s19 =	simm.s32 $0x9080;
	[dreg:$0x13] =	wrdreg s16  }
0x11: {  	s21 =	simm.s32 $0x9880;
	s22 =	simm.s32 $0xA080;
	[dreg:$0x14] =	wrdreg s17  }
0x12: {  	s23 =	simm.s32 $0xB080;
	s24 =	simm.s32 $0xB880;
	[dreg:$0x15] =	wrdreg s18  }
0x13: {  	s28 =	simm.s32 $0x16080;
	s29 =	simm.s32 $0x16880;
	[dreg:$0x16] =	wrdreg s19  }
0x14: {  	s30 =	simm.s32 $0x17080;
	s31 =	simm.s32 $0x17880;
	[dreg:$0x17] =	wrdreg s21  }
0x15: {  	s6 =	sshll.u32 s4, $0x4;
	s4 =	ssub.s32 $0x2, s4;
	[dreg:$0x18] =	wrdreg s22  }
0x16: {  	s5 =	sor.u32 s6, s5;
	s20 =	sshrl.u32 s4, $0x1;
	[dreg:$0x1a] =	wrdreg s23  }
0x17: {  	s7 =	simm.s32 $0xA880;
	[dreg:$0x1b] =	wrdreg s24;
	s25 =	simm.s32 $0xC080  }
0x18: {  	s8 =	simm.s32 $0x80;
	s26 =	simm.s32 $0xC880;
	s10 =	simm.s32 $0xD880  }
0x19: {  	s11 =	simm.s32 $0xE080;
	s12 =	simm.s32 $0xE880;
	s13 =	simm.s32 $0xF080  }
0x1a: {  	s14 =	simm.s32 $0xF880;
	s15 =	simm.s32 $0x10080;
	s16 =	simm.s32 $0x10880  }
0x1b: {  	s17 =	simm.s32 $0x11080;
	s18 =	simm.s32 $0x11880;
	s19 =	simm.s32 $0x12080  }
0x1c: {  	s21 =	simm.s32 $0x13080;
	s22 =	simm.s32 $0x13880;
	[dreg:$0x19] =	wrdreg s7  }
0x1d: {  	s6 =	sadd.s32 s5, s1;
	s5 =	smul.u32 $0x300, s5;
	[dreg:$0x1c] =	wrdreg s25  }
0x1e: {  	s23 =	simm.s32 $0x14080;
	[dreg:$0x1d] =	wrdreg s26;
	s6 =	sadd.s32 $0x30C00, s6  }
0x1f: {  	s24 =	simm.s32 $0x14880;
	[dreg:$0x3] =	wrdreg s6;
	s3 =	sadd.s32 s3, s5  }
0x20: {  	s7 =	simm.s32 $0x2;
	s5 =	simm.s32 $0x2080;
	[dreg:$0x4] =	wrdreg s3  }
0x21: {  	s25 =	simm.s32 $0x15080;
	s6 =	simm.s32 $0x2880;
	[dreg:$0x8] =	wrdreg s5  }
0x22: {  	v2 =	vlaneseq.u32;
	s26 =	simm.s32 $0x15880;
	[dreg:$0x9] =	wrdreg s6;
	s3 =	sadd.s32 $0x30E00, s1  }
0x23: {  	vm0 =	vmmov $0xffff;
	v1 =	vshrl.u32 v2, $0x3;
	s6 =	ssub.s32 s4, s20;
	s4 =	sadd.s32 $0x30F00, s1;
	s5 =	sadd.s32 $0x31000, s1  }
0x24: {  	v0 =	vand.u32 $0x7, v2;
	v2 =	vor.u32 $0x8, v2;
	v1 =	vmul.u32 $0x8, v1;
	s20 =	simm.s32 $0x12880;
	s1 =	simm.s32 $0x1;
	s6 =	smax.u32 s6, $0x1  }
.LBB2_1:
0x25: {  	s0 =	rddreg [dreg:$0x3]  }
0x26: {  	[tilespmem:s2], [sflag:$0x2] =	stream.linear.gather [hbm4b:s0+s2], $0x80, $0x38;
	[tilespmem:$0x18080] =	vst v63  }
0x27: {  	_ =	swait.ge [sflag:s7], $0x80  }
0x28: {  	[sflag:s7] =	ssyncset.done $0x0  }
0x29: {  	[sflag:s7] =	ssyncadd.s32 $0xFFFFFF80  }
0x2a: {  	v3 =	vld [tilespmem:$0x0];
	_ =	sdelay $0x4  }
0x2b: {  	v4 =	vshrl.u32 v3, $0x3  }
0x2c: {  	v4 =	vmul.u32 $0x30, v4  }
0x2d: {  	v3 =	vand.u32 $0x7, v3  }
0x2e: {  	v3 =	vor.u32 v3, v4  }
0x2f: {  	v4 =	vperm.xlane v3, v0;
	_ =	sdelay $0x1  }
0x30: {  	v4 =	vadd.s32 v1, v4;
	_ =	sdelay $0x3  }
0x31: {  	v3 =	vperm.xlane v3, v2  }
0x32: {  	[tilespmem:s8], [sflag:$0x1] =	stream.indirect_vreg.gather [hbm4b:s3+s2], $0x80, v4, vm0, $0xb8;
	[tilespmem:$0x18080] =	vst v63  }
0x33: {  	s0 =	rddreg [dreg:$0x5];
	v3 =	vadd.s32 v1, v3  }
0x34: {  	[tilespmem:s0], [sflag:$0x1] =	stream.indirect_vreg.gather [hbm4b:s4+s2], $0x80, v4, vm0, $0xb8;
	[tilespmem:$0x18080] =	vst v63  }
0x35: {  	s9 =	rddreg [dreg:$0x6]  }
0x36: {  	[tilespmem:s9], [sflag:$0x1] =	stream.indirect_vreg.gather [hbm4b:s5+s2], $0x80, v4, vm0, $0xb8;
	[tilespmem:$0x18080] =	vst v63  }
0x37: {  	s0 =	rddreg [dreg:$0x7]  }
0x38: {  	[tilespmem:s0], [sflag:$0x1] =	stream.indirect_vreg.gather [hbm4b:s3+s2], $0x80, v3, vm0, $0xb8;
	[tilespmem:$0x18080] =	vst v63  }
0x39: {  	s9 =	rddreg [dreg:$0x8]  }
0x3a: {  	[tilespmem:s9], [sflag:$0x1] =	stream.indirect_vreg.gather [hbm4b:s4+s2], $0x80, v3, vm0, $0xb8;
	[tilespmem:$0x18080] =	vst v63  }
0x3b: {  	s0 =	rddreg [dreg:$0x9]  }
0x3c: {  	[tilespmem:s0], [sflag:$0x1] =	stream.indirect_vreg.gather [hbm4b:s5+s2], $0x80, v3, vm0, $0xb8;
	[tilespmem:$0x18080] =	vst v63  }
0x3d: {  	v3 =	vld [tilespmem:$0x10];
	_ =	sdelay $0x4  }
0x3e: {  	v57 =	vshrl.u32 v3, $0x3  }
0x3f: {  	v4 =	vmul.u32 $0x30, v57  }
0x40: {  	v3 =	vand.u32 $0x7, v3  }
0x41: {  	v3 =	vor.u32 v3, v4  }
0x42: {  	v4 =	vperm.xlane v3, v0;
	_ =	sdelay $0x1  }
0x43: {  	v4 =	vadd.s32 v1, v4;
	_ =	sdelay $0x3  }
0x44: {  	s0 =	rddreg [dreg:$0xa];
	v3 =	vperm.xlane v3, v2  }
0x45: {  	[tilespmem:s0], [sflag:$0x1] =	stream.indirect_vreg.gather [hbm4b:s3+s2], $0x80, v4, vm0, $0xb8;
	[tilespmem:$0x18080] =	vst v63  }
0x46: {  	s9 =	rddreg [dreg:$0xb];
	v3 =	vadd.s32 v1, v3  }
0x47: {  	[tilespmem:s9], [sflag:$0x1] =	stream.indirect_vreg.gather [hbm4b:s4+s2], $0x80, v4, vm0, $0xb8;
	[tilespmem:$0x18080] =	vst v63  }
0x48: {  	s0 =	rddreg [dreg:$0xc]  }
0x49: {  	[tilespmem:s0], [sflag:$0x1] =	stream.indirect_vreg.gather [hbm4b:s5+s2], $0x80, v4, vm0, $0xb8;
	[tilespmem:$0x18080] =	vst v63  }
0x4a: {  	s9 =	rddreg [dreg:$0xd]  }
0x4b: {  	[tilespmem:s9], [sflag:$0x1] =	stream.indirect_vreg.gather [hbm4b:s3+s2], $0x80, v3, vm0, $0xb8;
	[tilespmem:$0x18080] =	vst v63  }
0x4c: {  	s0 =	rddreg [dreg:$0xe]  }
0x4d: {  	[tilespmem:s0], [sflag:$0x1] =	stream.indirect_vreg.gather [hbm4b:s4+s2], $0x80, v3, vm0, $0xb8;
	[tilespmem:$0x18080] =	vst v63  }
0x4e: {  	s9 =	rddreg [dreg:$0xf]  }
0x4f: {  	[tilespmem:s9], [sflag:$0x1] =	stream.indirect_vreg.gather [hbm4b:s5+s2], $0x80, v3, vm0, $0xb8;
	[tilespmem:$0x18080] =	vst v63  }
0x50: {  	v3 =	vld [tilespmem:$0x20];
	_ =	sdelay $0x4  }
0x51: {  	v58 =	vshrl.u32 v3, $0x3  }
0x52: {  	v4 =	vmul.u32 $0x30, v58  }
0x53: {  	v3 =	vand.u32 $0x7, v3  }
0x54: {  	v3 =	vor.u32 v3, v4  }
0x55: {  	v4 =	vperm.xlane v3, v0;
	_ =	sdelay $0x1  }
0x56: {  	v4 =	vadd.s32 v1, v4;
	_ =	sdelay $0x3  }
0x57: {  	s0 =	rddreg [dreg:$0x10];
	v3 =	vperm.xlane v3, v2  }
0x58: {  	[tilespmem:s0], [sflag:$0x1] =	stream.indirect_vreg.gather [hbm4b:s3+s2], $0x80, v4, vm0, $0xb8;
	[tilespmem:$0x18080] =	vst v63  }
0x59: {  	s9 =	rddreg [dreg:$0x11];
	v3 =	vadd.s32 v1, v3  }
0x5a: {  	[tilespmem:s9], [sflag:$0x1] =	stream.indirect_vreg.gather [hbm4b:s4+s2], $0x80, v4, vm0, $0xb8;
	[tilespmem:$0x18080] =	vst v63  }
0x5b: {  	s0 =	rddreg [dreg:$0x12]  }
0x5c: {  	[tilespmem:s0], [sflag:$0x1] =	stream.indirect_vreg.gather [hbm4b:s5+s2], $0x80, v4, vm0, $0xb8;
	[tilespmem:$0x18080] =	vst v63  }
0x5d: {  	s9 =	rddreg [dreg:$0x13]  }
0x5e: {  	[tilespmem:s9], [sflag:$0x1] =	stream.indirect_vreg.gather [hbm4b:s3+s2], $0x80, v3, vm0, $0xb8;
	[tilespmem:$0x18080] =	vst v63  }
0x5f: {  	s0 =	rddreg [dreg:$0x14]  }
0x60: {  	[tilespmem:s0], [sflag:$0x1] =	stream.indirect_vreg.gather [hbm4b:s4+s2], $0x80, v3, vm0, $0xb8;
	[tilespmem:$0x18080] =	vst v63  }
0x61: {  	s9 =	rddreg [dreg:$0x15]  }
0x62: {  	[tilespmem:s9], [sflag:$0x1] =	stream.indirect_vreg.gather [hbm4b:s5+s2], $0x80, v3, vm0, $0xb8;
	[tilespmem:$0x18080] =	vst v63  }
0x63: {  	v3 =	vld [tilespmem:$0x30];
	_ =	sdelay $0x4  }
0x64: {  	v59 =	vshrl.u32 v3, $0x3  }
0x65: {  	v4 =	vmul.u32 $0x30, v59  }
0x66: {  	v3 =	vand.u32 $0x7, v3  }
0x67: {  	v3 =	vor.u32 v3, v4  }
0x68: {  	v4 =	vperm.xlane v3, v0;
	_ =	sdelay $0x1  }
0x69: {  	v4 =	vadd.s32 v1, v4;
	_ =	sdelay $0x3  }
0x6a: {  	s0 =	rddreg [dreg:$0x16];
	v3 =	vperm.xlane v3, v2  }
0x6b: {  	[tilespmem:s0], [sflag:$0x1] =	stream.indirect_vreg.gather [hbm4b:s3+s2], $0x80, v4, vm0, $0xb8;
	[tilespmem:$0x18080] =	vst v63  }
0x6c: {  	s9 =	rddreg [dreg:$0x17];
	v3 =	vadd.s32 v1, v3  }
0x6d: {  	[tilespmem:s9], [sflag:$0x1] =	stream.indirect_vreg.gather [hbm4b:s4+s2], $0x80, v4, vm0, $0xb8;
	[tilespmem:$0x18080] =	vst v63  }
0x6e: {  	s0 =	rddreg [dreg:$0x18]  }
0x6f: {  	[tilespmem:s0], [sflag:$0x1] =	stream.indirect_vreg.gather [hbm4b:s5+s2], $0x80, v4, vm0, $0xb8;
	[tilespmem:$0x18080] =	vst v63  }
0x70: {  	s9 =	rddreg [dreg:$0x19]  }
0x71: {  	[tilespmem:s9], [sflag:$0x1] =	stream.indirect_vreg.gather [hbm4b:s3+s2], $0x80, v3, vm0, $0xb8;
	[tilespmem:$0x18080] =	vst v63  }
0x72: {  	s0 =	rddreg [dreg:$0x1a]  }
0x73: {  	[tilespmem:s0], [sflag:$0x1] =	stream.indirect_vreg.gather [hbm4b:s4+s2], $0x80, v3, vm0, $0xb8;
	[tilespmem:$0x18080] =	vst v63  }
0x74: {  	s9 =	rddreg [dreg:$0x1b]  }
0x75: {  	[tilespmem:s9], [sflag:$0x1] =	stream.indirect_vreg.gather [hbm4b:s5+s2], $0x80, v3, vm0, $0xb8;
	[tilespmem:$0x18080] =	vst v63  }
0x76: {  	v3 =	vld [tilespmem:$0x40];
	_ =	sdelay $0x4  }
0x77: {  	v60 =	vshrl.u32 v3, $0x3  }
0x78: {  	v4 =	vmul.u32 $0x30, v60  }
0x79: {  	v3 =	vand.u32 $0x7, v3  }
0x7a: {  	v3 =	vor.u32 v3, v4  }
0x7b: {  	v4 =	vperm.xlane v3, v0;
	_ =	sdelay $0x1  }
0x7c: {  	v4 =	vadd.s32 v1, v4;
	_ =	sdelay $0x3  }
0x7d: {  	s0 =	rddreg [dreg:$0x1c];
	v3 =	vperm.xlane v3, v2  }
0x7e: {  	[tilespmem:s0], [sflag:$0x1] =	stream.indirect_vreg.gather [hbm4b:s3+s2], $0x80, v4, vm0, $0xb8;
	[tilespmem:$0x18080] =	vst v63  }
0x7f: {  	s9 =	rddreg [dreg:$0x1d];
	v3 =	vadd.s32 v1, v3  }
0x80: {  	[tilespmem:s9], [sflag:$0x1] =	stream.indirect_vreg.gather [hbm4b:s4+s2], $0x80, v4, vm0, $0xb8;
	[tilespmem:$0x18080] =	vst v63  }
0x81: {  	s9 =	simm.s32 $0xD080  }
0x82: {  	[tilespmem:s9], [sflag:$0x1] =	stream.indirect_vreg.gather [hbm4b:s5+s2], $0x80, v4, vm0, $0xb8;
	[tilespmem:$0x18080] =	vst v63  }
0x83: {  	_ = 	snop  }
0x84: {  	[tilespmem:s10], [sflag:$0x1] =	stream.indirect_vreg.gather [hbm4b:s3+s2], $0x80, v3, vm0, $0xb8;
	[tilespmem:$0x18080] =	vst v63  }
0x85: {  	_ = 	snop  }
0x86: {  	[tilespmem:s11], [sflag:$0x1] =	stream.indirect_vreg.gather [hbm4b:s4+s2], $0x80, v3, vm0, $0xb8;
	[tilespmem:$0x18080] =	vst v63  }
0x87: {  	_ = 	snop  }
0x88: {  	[tilespmem:s12], [sflag:$0x1] =	stream.indirect_vreg.gather [hbm4b:s5+s2], $0x80, v3, vm0, $0xb8;
	[tilespmem:$0x18080] =	vst v63  }
0x89: {  	v3 =	vld [tilespmem:$0x50];
	_ =	sdelay $0x4  }
0x8a: {  	v61 =	vshrl.u32 v3, $0x3  }
0x8b: {  	v4 =	vmul.u32 $0x30, v61  }
0x8c: {  	v3 =	vand.u32 $0x7, v3  }
0x8d: {  	v3 =	vor.u32 v3, v4  }
0x8e: {  	v4 =	vperm.xlane v3, v0;
	_ =	sdelay $0x1  }
0x8f: {  	v4 =	vadd.s32 v1, v4;
	_ =	sdelay $0x3  }
0x90: {  	v3 =	vperm.xlane v3, v2  }
0x91: {  	[tilespmem:s13], [sflag:$0x1] =	stream.indirect_vreg.gather [hbm4b:s3+s2], $0x80, v4, vm0, $0xb8;
	[tilespmem:$0x18080] =	vst v63  }
0x92: {  	v3 =	vadd.s32 v1, v3  }
0x93: {  	[tilespmem:s14], [sflag:$0x1] =	stream.indirect_vreg.gather [hbm4b:s4+s2], $0x80, v4, vm0, $0xb8;
	[tilespmem:$0x18080] =	vst v63  }
0x94: {  	_ = 	snop  }
0x95: {  	[tilespmem:s15], [sflag:$0x1] =	stream.indirect_vreg.gather [hbm4b:s5+s2], $0x80, v4, vm0, $0xb8;
	[tilespmem:$0x18080] =	vst v63  }
0x96: {  	_ = 	snop  }
0x97: {  	[tilespmem:s16], [sflag:$0x1] =	stream.indirect_vreg.gather [hbm4b:s3+s2], $0x80, v3, vm0, $0xb8;
	[tilespmem:$0x18080] =	vst v63  }
0x98: {  	_ = 	snop  }
0x99: {  	[tilespmem:s17], [sflag:$0x1] =	stream.indirect_vreg.gather [hbm4b:s4+s2], $0x80, v3, vm0, $0xb8;
	[tilespmem:$0x18080] =	vst v63  }
0x9a: {  	_ = 	snop  }
0x9b: {  	[tilespmem:s18], [sflag:$0x1] =	stream.indirect_vreg.gather [hbm4b:s5+s2], $0x80, v3, vm0, $0xb8;
	[tilespmem:$0x18080] =	vst v63  }
0x9c: {  	v3 =	vld [tilespmem:$0x60];
	_ =	sdelay $0x4  }
0x9d: {  	v62 =	vshrl.u32 v3, $0x3  }
0x9e: {  	v4 =	vmul.u32 $0x30, v62  }
0x9f: {  	v3 =	vand.u32 $0x7, v3  }
0xa0: {  	v3 =	vor.u32 v3, v4  }
0xa1: {  	v4 =	vperm.xlane v3, v0;
	_ =	sdelay $0x1  }
0xa2: {  	v4 =	vadd.s32 v1, v4;
	_ =	sdelay $0x3  }
0xa3: {  	v3 =	vperm.xlane v3, v2  }
0xa4: {  	[tilespmem:s19], [sflag:$0x1] =	stream.indirect_vreg.gather [hbm4b:s3+s2], $0x80, v4, vm0, $0xb8;
	[tilespmem:$0x18080] =	vst v63  }
0xa5: {  	v3 =	vadd.s32 v1, v3  }
0xa6: {  	[tilespmem:s20], [sflag:$0x1] =	stream.indirect_vreg.gather [hbm4b:s4+s2], $0x80, v4, vm0, $0xb8;
	[tilespmem:$0x18080] =	vst v63  }
0xa7: {  	_ = 	snop  }
0xa8: {  	[tilespmem:s21], [sflag:$0x1] =	stream.indirect_vreg.gather [hbm4b:s5+s2], $0x80, v4, vm0, $0xb8;
	[tilespmem:$0x18080] =	vst v63  }
0xa9: {  	_ = 	snop  }
0xaa: {  	[tilespmem:s22], [sflag:$0x1] =	stream.indirect_vreg.gather [hbm4b:s3+s2], $0x80, v3, vm0, $0xb8;
	[tilespmem:$0x18080] =	vst v63  }
0xab: {  	_ = 	snop  }
0xac: {  	[tilespmem:s23], [sflag:$0x1] =	stream.indirect_vreg.gather [hbm4b:s4+s2], $0x80, v3, vm0, $0xb8;
	[tilespmem:$0x18080] =	vst v63  }
0xad: {  	_ = 	snop  }
0xae: {  	[tilespmem:s24], [sflag:$0x1] =	stream.indirect_vreg.gather [hbm4b:s5+s2], $0x80, v3, vm0, $0xb8;
	[tilespmem:$0x18080] =	vst v63  }
0xaf: {  	v3 =	vld [tilespmem:$0x70];
	_ =	sdelay $0x4  }
0xb0: {  	v63 =	vshrl.u32 v3, $0x3  }
0xb1: {  	v4 =	vmul.u32 $0x30, v63  }
0xb2: {  	v3 =	vand.u32 $0x7, v3  }
0xb3: {  	v3 =	vor.u32 v3, v4  }
0xb4: {  	v4 =	vperm.xlane v3, v0;
	_ =	sdelay $0x1  }
0xb5: {  	v4 =	vadd.s32 v1, v4;
	_ =	sdelay $0x3  }
0xb6: {  	v3 =	vperm.xlane v3, v2  }
0xb7: {  	[tilespmem:s25], [sflag:$0x1] =	stream.indirect_vreg.gather [hbm4b:s3+s2], $0x80, v4, vm0, $0xb8;
	[tilespmem:$0x18080] =	vst v63  }
0xb8: {  	v3 =	vadd.s32 v1, v3  }
0xb9: {  	[tilespmem:s26], [sflag:$0x1] =	stream.indirect_vreg.gather [hbm4b:s4+s2], $0x80, v4, vm0, $0xb8;
	[tilespmem:$0x18080] =	vst v63  }
0xba: {  	_ = 	snop  }
0xbb: {  	[tilespmem:s28], [sflag:$0x1] =	stream.indirect_vreg.gather [hbm4b:s5+s2], $0x80, v4, vm0, $0xb8;
	[tilespmem:$0x18080] =	vst v63  }
0xbc: {  	_ = 	snop  }
0xbd: {  	[tilespmem:s29], [sflag:$0x1] =	stream.indirect_vreg.gather [hbm4b:s3+s2], $0x80, v3, vm0, $0xb8;
	[tilespmem:$0x18080] =	vst v63  }
0xbe: {  	_ = 	snop  }
0xbf: {  	[tilespmem:s30], [sflag:$0x1] =	stream.indirect_vreg.gather [hbm4b:s4+s2], $0x80, v3, vm0, $0xb8;
	[tilespmem:$0x18080] =	vst v63  }
0xc0: {  	_ = 	snop  }
0xc1: {  	[tilespmem:s31], [sflag:$0x1] =	stream.indirect_vreg.gather [hbm4b:s5+s2], $0x80, v3, vm0, $0xb8;
	[tilespmem:$0x18080] =	vst v63  }
0xc2: {  	_ =	swait.ge [sflag:s1], $0x18000  }
0xc3: {  	p0 =	sne.s32 s6, $0x1;
	[sflag:s1] =	ssyncset.done $0x0  }
.Ltmp0:
0xc4: {  	s9 =	rddreg [dreg:$0x4];
	[sflag:s1] =	ssyncadd.s32 $0xFFFE8000;
	(pc) =	sbr.rel @p0 .LBB2_1-.Ltmp0, $4  }
0xc5: {  	[hbm4b:s9+s2] =	stream.linear.scatter [tilespmem:s8], [sflag:$0x2], $0x18000, $0x38;
	[tilespmem:$0x18080] =	vst v63  }
0xc6: {  	_ =	swait.ge [sflag:s7], $0x18000  }
0xc7: {  	[sflag:s7] =	ssyncset.done $0x0  }
0xc8: {  	s6 =	sadd.s32 $0xFFFFFFFF, s6;
	[sflag:s7] =	ssyncadd.s32 $0xFFFE8000  }
0xc9: {  	_ =	sfence.sel $0x180000  }
0xca: {  	[bflag:$0x0] =	sbarrier.arrive $0xFFFF  }
0xcb: {  	_ =	strace $0x9000004A  }
0xcc: {  	s0 =	stileid.u32;
	[bflag:$0x2] =	sbarrier.arrive $0xFFFF  }
0xcd: {  	p0 =	sne.s32 s0, $0x0;
	s0 =	rddreg [dreg:$0x2]  }
0xce: {  	s0 =	sadd.s32 @!p0 $0x100000, s0  }
0xcf: {  	[sflag:s0] =	ssyncadd.tile.s32 @!p0 $0x1;
	_ =	shalt  }
.Lfunc_end2:
_tile_overlayer_lowered:
.L_overlay_start_2:
0xd0: {  	(tag) =	ssettag $0x2  }
0xd1: {  	s0 =	rddreg [dreg:$0x0];
	s2 =	stileid.u32  }
0xd2: {  	s1 =	rddreg [dreg:$0x1];
	p0 =	sne.s32 s2, $0x0  }
0xd3: {  	s3 =	rddreg [dreg:$0x2];
	[bflag:$0x3] =	sbarrier.arrive $0xFFFF;
	s2 =	simm.s32 @!p0 $0x1C02  }
0xd4: {  	[timem:s3], [sflag:s2] =	dma.local @!p0 [hbm:s0], s1  }
0xd5: {  	s0 =	simm.s32 @!p0 $0x2  }
0xd6: {  	_ =	swait.ge @!p0 [sflag:s0], s1  }
0xd7: {  	s1 =	ssub.s32 @!p0 $0x0, s1;
	[sflag:s0] =	ssyncset.done @!p0 $0x0  }
0xd8: {  	[sflag:s0] =	ssyncadd.s32 @!p0 s1  }
0xd9: {  	[bflag:$0x3] =	sbarrier.arrive $0xFFFF  }
0xda: {  	_ =	shalt  }

</sc_bundles>
